<compile_context>
chip_gen: v7x
topology: tpu7x:2x2x1
jax: 0.10.2.dev20260603
libtpu: 0.0.44.dev20260713+nightly
codegen_flags: <defaults>
</compile_context>

<pallas_src>
import functools

import jax
import jax.numpy as jnp
from jax import lax
from jax.experimental import pallas as pl
from jax.experimental.pallas import tpu as pltpu
from jax.experimental.pallas import tpu_sc as plsc

_DELTA_T = 30.0
_NODE_STD = 2.0
_EDGE_STD = 1.5
_NUM_GRAPHS = 64
_NW = 32
_LANES = 16

_params = pltpu.CompilerParams(needs_layout_passes=False)


def _wid():
    return lax.axis_index("s") * 2 + lax.axis_index("c")


@functools.lru_cache(maxsize=None)
def _build(n_nodes, n_edges, interpret=False):
    _mesh = plsc.VectorSubcoreMesh(
        core_axis_name="c", subcore_axis_name="s",
        num_cores=2, num_subcores=16)
    nb = -(-n_nodes // (_NW * _LANES)) * _LANES
    last_base = n_nodes - nb
    assert last_base >= 0 and last_base % 8 == 0 and n_nodes % 8 == 0
    ngrp_n = nb // _LANES

    nt = n_edges // 128
    assert n_edges % (128 * _LANES) == 0
    nchk = nt // _LANES
    npw = -(-nchk // _NW)
    echunk = 128 * _LANES

    @functools.partial(
        pl.kernel,
        out_type=jax.ShapeDtypeStruct((_NW * n_nodes,), jnp.float32),
        mesh=_mesh,
        scratch_types=[
            pltpu.VMEM((n_nodes,), jnp.float32),
            pltpu.VMEM((echunk,), jnp.float32),
            pltpu.VMEM((echunk,), jnp.float32),
            pltpu.VMEM((2 * _LANES, 128), jnp.int32),
            pltpu.VMEM((2 * _LANES, 128), jnp.int32),
            pltpu.SemaphoreType.DMA,
            pltpu.SemaphoreType.DMA,
        ],
        compiler_params=_params,
        interpret=interpret,
    )
    def scatter_net(wf, eiv, out_hbm, acc,
                    fbuf0, fbuf1, ibuf0, ibuf1, sem0, sem1):
        wid = _wid()
        bufs = ((fbuf0, ibuf0, sem0), (fbuf1, ibuf1, sem1))

        def zinit(i, _):
            acc[pl.ds(i * _LANES, _LANES)] = jnp.zeros((_LANES,), jnp.float32)
            return 0

        lax.fori_loop(0, n_nodes // _LANES, zinit, 0)

        def start(j, slot):
            fb, ib, sem = bufs[slot]
            cid = wid + _NW * j
            pltpu.async_copy(wf.at[pl.ds(cid * echunk, echunk)], fb, sem)
            pltpu.async_copy(eiv.at[pl.ds(cid * (2 * _LANES), 2 * _LANES), :],
                             ib, sem)

        def wait(j, slot):
            fb, ib, sem = bufs[slot]
            cid = wid + _NW * j
            pltpu.make_async_copy(wf.at[pl.ds(cid * echunk, echunk)], fb,
                                  sem).wait()
            pltpu.make_async_copy(
                eiv.at[pl.ds(cid * (2 * _LANES), 2 * _LANES), :], ib,
                sem).wait()

        def process(j, slot):
            fb, ib, _ = bufs[slot]
            cid = wid + _NW * j

            @pl.when(cid + _NW < nchk)
            def _():
                start(j + 1, 1 - slot)

            wait(j, slot)

            @plsc.parallel_loop(0, echunk // _LANES, unroll=8)
            def _(gg):
                t = gg // 8
                g = gg - t * 8
                sl = pl.ds(g * _LANES, _LANES)
                f = fb[pl.ds(gg * _LANES, _LANES)]
                r = ib[2 * t, sl]
                c = ib[2 * t + 1, sl]
                v = f * (_EDGE_STD * _DELTA_T)
                plsc.addupdate_scatter(acc, [c], v)
                plsc.addupdate_scatter(acc, [r], -v)

        start(0, 0)

        def chunk_pair(jj, _):
            j0 = jj * 2

            @pl.when(wid + _NW * j0 < nchk)
            def _():
                process(j0, 0)

            @pl.when(wid + _NW * (j0 + 1) < nchk)
            def _():
                process(j0 + 1, 1)

            return 0

        lax.fori_loop(0, (npw + 1) // 2, chunk_pair, 0)
        pltpu.sync_copy(acc, out_hbm.at[pl.ds(wid * n_nodes, n_nodes)])

    @functools.partial(
        pl.kernel,
        out_type=jax.ShapeDtypeStruct((_NW * _LANES,), jnp.float32),
        mesh=_mesh,
        scratch_types=[
            pltpu.VMEM((nb,), jnp.float32),
            pltpu.VMEM((nb,), jnp.float32),
            pltpu.VMEM((nb,), jnp.float32),
            pltpu.VMEM((nb,), jnp.float32),
            pltpu.VMEM((nb,), jnp.float32),
            pltpu.VMEM((nb,), jnp.float32),
            pltpu.VMEM((nb,), jnp.float32),
            pltpu.VMEM((_LANES,), jnp.float32),
            pltpu.SemaphoreType.DMA,
            pltpu.SemaphoreType.DMA,
        ],
        compiler_params=_params,
        interpret=interpret,
    )
    def node_loss(parts, cn_h, pn_h, rain, maskf, out_hbm,
                  net, stage0, stage1, ncn, npn, nrf, nmk, pout, sem0, sem1):
        wid = _wid()
        stages = ((stage0, sem0), (stage1, sem1))
        iota = lax.iota(jnp.int32, _LANES)
        base = jnp.minimum(wid * nb, last_base)

        pltpu.sync_copy(cn_h.at[pl.ds(base, nb)], ncn)
        pltpu.sync_copy(pn_h.at[pl.ds(base, nb)], npn)
        pltpu.sync_copy(rain.at[pl.ds(base, nb)], nrf)
        pltpu.sync_copy(maskf.at[pl.ds(base, nb)], nmk)
        pltpu.sync_copy(parts.at[pl.ds(base, nb)], net)

        def pstart(j, slot):
            st, sem = stages[slot]
            pltpu.async_copy(parts.at[pl.ds(j * n_nodes + base, nb)], st, sem)

        def pprocess(j, slot):
            st, sem = stages[slot]

            @pl.when(j + 1 < _NW)
            def _():
                pstart(j + 1, 1 - slot)

            pltpu.make_async_copy(parts.at[pl.ds(j * n_nodes + base, nb)],
                                  st, sem).wait()

            def add_grp(g, _):
                sl = pl.ds(g * _LANES, _LANES)
                net[sl] = net[sl] + st[sl]
                return 0

            lax.fori_loop(0, ngrp_n, add_grp, 0)

        pstart(1, 1)

        def part_pair(jj, _):
            j1 = jj * 2 + 1

            @pl.when(j1 < _NW)
            def _():
                pprocess(j1, 1)

            @pl.when(j1 + 1 < _NW)
            def _():
                pprocess(j1 + 1, 0)

            return 0

        lax.fori_loop(0, _NW // 2, part_pair, 0)

        lo_valid = wid * nb

        def grp(g, carry):
            sl = pl.ds(g * _LANES, _LANES)
            dv = (npn[sl] - ncn[sl]) * _NODE_STD
            e = dv - net[sl] - nrf[sl]
            err = jnp.abs(e) * nmk[sl]
            gidx = base + g * _LANES + iota
            ok = jnp.logical_and(gidx >= lo_valid, gidx < n_nodes)
            return carry + jnp.where(ok, err, jnp.zeros_like(err))

        partial = lax.fori_loop(0, ngrp_n, grp, jnp.zeros((_LANES,), jnp.float32))
        pout[...] = partial
        pltpu.sync_copy(pout, out_hbm.at[pl.ds(wid * _LANES, _LANES)])

    def run(batch_node_pred, batch_node_input, batch_edge_input, batch,
            edge_index, rainfall, non_boundary_nodes_mask):
        del batch
        wf = batch_edge_input[:, 2]
        ei32 = edge_index.astype(jnp.int32)
        eiv = jnp.transpose(ei32.reshape(2, n_edges // 128, 128),
                            (1, 0, 2)).reshape(n_edges // 64, 128)
        cn = batch_node_input[:, 9]
        pn = batch_node_pred[:, 1]
        maskf = non_boundary_nodes_mask.astype(jnp.float32)
        parts = scatter_net(wf, eiv)
        pt = node_loss(parts, cn, pn, rainfall, maskf)
        return jnp.sum(pt) / _NUM_GRAPHS

    return jax.jit(run)


def kernel(batch_node_pred, batch_node_input, batch_edge_input, batch,
           edge_index, rainfall, non_boundary_nodes_mask):
    n_nodes = batch_node_input.shape[0]
    n_edges = batch_edge_input.shape[0]
    fn = _build(n_nodes, n_edges)
    return fn(batch_node_pred, batch_node_input, batch_edge_input, batch,
              edge_index, rainfall, non_boundary_nodes_mask)

# --- scband reference (transcript-rebuilt; emitter-appended) ---
"""Pipeline reference for scband-local-mass-conservation-loss-5128190951716 (READ-ONLY COPY).

The authoritative reference and input builder live on the scoring server;
editing this copy changes nothing except your own understanding.
"""

import jax, jax.numpy as jnp
import numpy as np

N_NODES = 100000
N_EDGES = 6400000
NUM_GRAPHS = 64
DELTA_T = 30
NODE_MEAN, NODE_STD = 0.5, 2.0
EDGE_MEAN, EDGE_STD = 0.0, 1.5

def setup_inputs(seed: int = 0) -> dict:
    key = jax.random.key(seed)
    k1, k2, k3, k4, k5, k6 = jax.random.split(key, 6)
    batch_node_pred = jax.random.normal(k1, (N_NODES, 2), dtype=jnp.float32)
    batch_node_input = jax.random.normal(k2, (N_NODES, 10), dtype=jnp.float32)
    batch_edge_input = jax.random.normal(k3, (N_EDGES, 3), dtype=jnp.float32)
    batch = jnp.sort(jax.random.randint(k4, (N_NODES,), 0, NUM_GRAPHS, dtype=jnp.int64))
    edge_index = jax.random.randint(k5, (2, N_EDGES), 0, N_NODES, dtype=jnp.int64)
    rainfall = jax.random.uniform(k6, (N_NODES,), dtype=jnp.float32)
    non_boundary_nodes_mask = jnp.ones((N_NODES,), dtype=bool)
    return {
        'batch_node_pred': batch_node_pred,
        'batch_node_input': batch_node_input,
        'batch_edge_input': batch_edge_input,
        'batch': batch,
        'edge_index': edge_index,
        'rainfall': rainfall,
        'non_boundary_nodes_mask': non_boundary_nodes_mask,
    }

def _get_orig_water_volume(x, mask):
    # denormalize last node feature channel (water volume), keep non-boundary nodes
    vol = x[:, -1] * NODE_STD + NODE_MEAN
    return jnp.where(mask, vol, 0.0)

def _get_orig_water_flow(e):
    # denormalize last edge feature channel (face flow)
    return e[:, -1] * EDGE_STD + EDGE_MEAN

def reference(batch_node_pred, batch_node_input, batch_edge_input, batch, edge_index, rainfall, non_boundary_nodes_mask):
    num_nodes = batch_node_input.shape[0]
    curr_water_volume = _get_orig_water_volume(batch_node_input, non_boundary_nodes_mask)
    next_water_volume = _get_orig_water_volume(batch_node_pred, non_boundary_nodes_mask)
    water_flow = _get_orig_water_flow(batch_edge_input)
    # bidirectional edges: flow on reverse edge is negated
    row, col = edge_index[0], edge_index[1]
    row2 = jnp.concatenate([row, col], axis=0)
    col2 = jnp.concatenate([col, row], axis=0)
    face_flow = jnp.concatenate([water_flow, -water_flow], axis=0)
    face_flow = jax.nn.relu(face_flow)
    total_inflow = jnp.where(non_boundary_nodes_mask, jax.ops.segment_sum(face_flow, col2, num_segments=num_nodes), 0.0)
    total_outflow = jnp.where(non_boundary_nodes_mask, jax.ops.segment_sum(face_flow, row2, num_segments=num_nodes), 0.0)
    delta_v = next_water_volume - curr_water_volume
    rf_volume = rainfall
    inflow_volume = total_inflow * DELTA_T
    outflow_volume = total_outflow * DELTA_T
    local_volume_error = delta_v - inflow_volume + outflow_volume - rf_volume
    local_volume_error = jnp.abs(local_volume_error)
    local_volume_error = jnp.where(non_boundary_nodes_mask, local_volume_error, 0.0)
    non_boundary_batch = jnp.where(non_boundary_nodes_mask, batch, 0)
    total_local_volume_error = jax.ops.segment_sum(local_volume_error, non_boundary_batch, num_segments=NUM_GRAPHS)
    local_loss = total_local_volume_error.mean()
    return local_loss

if __name__ == "__main__":
    import jax
    _d = setup_inputs()
    print(jax.jit(kernel)(*tuple(_d.values())))

</pallas_src>

<mosaic_0001>
#map = affine_map<(d0, d1) -> (0)>
#map1 = affine_map<(d0, d1) -> (0, 0)>
module attributes {stable_mosaic.version = 14 : i64} {
  func.func @scatter_net(%arg0: i32, %arg1: i32, %arg2: memref<6400000xf32, #tpu.memory_space<hbm>>, %arg3: memref<100000x128xi32, #tpu.memory_space<hbm>>, %arg4: memref<3200000xf32, #tpu.memory_space<hbm>>, %arg5: memref<100000xf32, #tpu.memory_space<vmem>>, %arg6: memref<2048xf32, #tpu.memory_space<vmem>>, %arg7: memref<2048xf32, #tpu.memory_space<vmem>>, %arg8: memref<32x128xi32, #tpu.memory_space<vmem>>, %arg9: memref<32x128xi32, #tpu.memory_space<vmem>>, %arg10: memref<!tpu.dma_semaphore, #tpu.memory_space<semaphore_mem>>, %arg11: memref<!tpu.dma_semaphore, #tpu.memory_space<semaphore_mem>>) attributes {dimension_semantics = [#tpu.dimension_semantics<core_parallel>, #tpu.dimension_semantics<subcore_parallel>], iteration_bounds = array<i64: 2, 16>, scalar_prefetch = 0 : i64, scratch_operands = 7 : i64, tpu.core_type = #tpu.core_type<sc_vector_subcore>, window_params = [{transform_indices = #map}, {transform_indices = #map1}, {transform_indices = #map}]} {
    %mul3A = arith.constant 2 : i32
    %mul3A_0 = arith.muli %arg1, %mul3A : i32
    %add3A = arith.addi %mul3A_0, %arg0 : i32
    %scan3A = arith.constant 0 : i32
    %scan3A_1 = arith.constant 0 : i32
    %scan3A_2 = arith.constant 6250 : i32
    %scan3A_3 = arith.addi %scan3A_1, %scan3A_2 : i32
    %scan3A_4 = arith.constant 1 : i32
    %scan3A_5 = scf.for %scan3A_27 = %scan3A_1 to %scan3A_3 step %scan3A_4 iter_args(%scan3A_28 = %scan3A) -> (i32)  : i32 {
      %broadcast_in_dim3A = arith.constant 0.000000e+00 : f32
      %broadcast_in_dim3A_29 = vector.broadcast %broadcast_in_dim3A : f32 to vector<16xf32>
      %mul3A_30 = arith.constant 16 : i32
      %mul3A_31 = arith.muli %scan3A_27, %mul3A_30 : i32
      %swap3A = arith.index_cast %mul3A_31 : i32 to index
      %swap3A_32 = tpu.vector_load %arg5[%swap3A] {strides = array<i32>} : memref<100000xf32, #tpu.memory_space<vmem>>, vector<16xf32>,
      tpu.vector_store %arg5[%swap3A], %broadcast_in_dim3A_29 {strides = array<i32>} : memref<100000xf32, #tpu.memory_space<vmem>>, vector<16xf32>,
      %scan3A_33 = arith.constant 0 : i32
      scf.yield %scan3A_33 : i32
    }
    %scan3A_6 = arith.constant 6250 : i32
    %add3A_7 = arith.constant 0 : i32
    %add3A_8 = arith.addi %add3A, %add3A_7 : i32
    %mul3A_9 = arith.constant 2048 : i32
    %mul3A_10 = arith.muli %add3A_8, %mul3A_9 : i32
    %dma_start3A = tpu.memref_slice %arg2[%mul3A_10] : memref<6400000xf32, #tpu.memory_space<hbm>> -> memref<2048xf32, #tpu.memory_space<hbm>>
    %dma_start3A_11 = tpu.memref_slice %arg2[%mul3A_10] : memref<6400000xf32, #tpu.memory_space<hbm>> -> memref<2048xf32, #tpu.memory_space<hbm>>
    tpu.enqueue_dma source(%dma_start3A_11 : memref<2048xf32, #tpu.memory_space<hbm>>) target(%arg6 : memref<2048xf32, #tpu.memory_space<vmem>>) target_semaphore(%arg10 : memref<!tpu.dma_semaphore, #tpu.memory_space<semaphore_mem>>)
    %mul3A_12 = arith.constant 32 : i32
    %mul3A_13 = arith.muli %add3A_8, %mul3A_12 : i32
    %dma_start3A_14 = arith.constant 0 : i32
    %dma_start3A_15 = tpu.memref_slice %arg3[%mul3A_13, %dma_start3A_14] : memref<100000x128xi32, #tpu.memory_space<hbm>> -> memref<32x128xi32, #tpu.memory_space<hbm>>
    %dma_start3A_16 = arith.constant 0 : i32
    %dma_start3A_17 = tpu.memref_slice %arg3[%mul3A_13, %dma_start3A_16] : memref<100000x128xi32, #tpu.memory_space<hbm>> -> memref<32x128xi32, #tpu.memory_space<hbm>>
    tpu.enqueue_dma source(%dma_start3A_17 : memref<32x128xi32, #tpu.memory_space<hbm>>) target(%arg8 : memref<32x128xi32, #tpu.memory_space<vmem>>) target_semaphore(%arg10 : memref<!tpu.dma_semaphore, #tpu.memory_space<semaphore_mem>>)
    %scan3A_18 = arith.constant 0 : i32
    %scan3A_19 = arith.constant 0 : i32
    %scan3A_20 = arith.constant 49 : i32
    %scan3A_21 = arith.addi %scan3A_19, %scan3A_20 : i32
    %scan3A_22 = arith.constant 1 : i32
    %scan3A_23 = scf.for %scan3A_27 = %scan3A_19 to %scan3A_21 step %scan3A_22 iter_args(%scan3A_28 = %scan3A_18) -> (i32)  : i32 {
      %mul3A_29 = arith.constant 2 : i32
      %mul3A_30 = arith.muli %scan3A_27, %mul3A_29 : i32
      %mul3A_31 = arith.constant 32 : i32
      %mul3A_32 = arith.muli %mul3A_31, %mul3A_30 : i32
      %add3A_33 = arith.addi %add3A, %mul3A_32 : i32
      %lt3A = arith.constant 3125 : i32
      %lt3A_34 = arith.cmpi slt, %add3A_33, %lt3A : i32
      %convert_element_type3A = arith.extui %lt3A_34 : i1 to i32
      %cond3A = arith.constant 0 : i32
      %cond3A_35 = arith.cmpi ne, %convert_element_type3A, %cond3A : i32
      scf.if %cond3A_35 {
        %mul3A_47 = arith.constant 32 : i32
        %mul3A_48 = arith.muli %mul3A_47, %mul3A_30 : i32
        %add3A_49 = arith.addi %add3A, %mul3A_48 : i32
        %add3A_50 = arith.constant 32 : i32
        %add3A_51 = arith.addi %add3A_49, %add3A_50 : i32
        %lt3A_52 = arith.constant 3125 : i32
        %lt3A_53 = arith.cmpi slt, %add3A_51, %lt3A_52 : i32
        %convert_element_type3A_54 = arith.extui %lt3A_53 : i1 to i32
        %cond3A_55 = arith.constant 0 : i32
        %cond3A_56 = arith.cmpi ne, %convert_element_type3A_54, %cond3A_55 : i32
        scf.if %cond3A_56 {
          %add3A_71 = arith.constant 1 : i32
          %add3A_72 = arith.addi %mul3A_30, %add3A_71 : i32
          %mul3A_73 = arith.constant 32 : i32
          %mul3A_74 = arith.muli %mul3A_73, %add3A_72 : i32
          %add3A_75 = arith.addi %add3A, %mul3A_74 : i32
          %mul3A_76 = arith.constant 2048 : i32
          %mul3A_77 = arith.muli %add3A_75, %mul3A_76 : i32
          %dma_start3A_78 = tpu.memref_slice %arg2[%mul3A_77] : memref<6400000xf32, #tpu.memory_space<hbm>> -> memref<2048xf32, #tpu.memory_space<hbm>>
          %dma_start3A_79 = tpu.memref_slice %arg2[%mul3A_77] : memref<6400000xf32, #tpu.memory_space<hbm>> -> memref<2048xf32, #tpu.memory_space<hbm>>
          tpu.enqueue_dma source(%dma_start3A_79 : memref<2048xf32, #tpu.memory_space<hbm>>) target(%arg7 : memref<2048xf32, #tpu.memory_space<vmem>>) target_semaphore(%arg11 : memref<!tpu.dma_semaphore, #tpu.memory_space<semaphore_mem>>)
          %mul3A_80 = arith.constant 32 : i32
          %mul3A_81 = arith.muli %add3A_75, %mul3A_80 : i32
          %dma_start3A_82 = arith.constant 0 : i32
          %dma_start3A_83 = tpu.memref_slice %arg3[%mul3A_81, %dma_start3A_82] : memref<100000x128xi32, #tpu.memory_space<hbm>> -> memref<32x128xi32, #tpu.memory_space<hbm>>
          %dma_start3A_84 = arith.constant 0 : i32
          %dma_start3A_85 = tpu.memref_slice %arg3[%mul3A_81, %dma_start3A_84] : memref<100000x128xi32, #tpu.memory_space<hbm>> -> memref<32x128xi32, #tpu.memory_space<hbm>>
          tpu.enqueue_dma source(%dma_start3A_85 : memref<32x128xi32, #tpu.memory_space<hbm>>) target(%arg9 : memref<32x128xi32, #tpu.memory_space<vmem>>) target_semaphore(%arg11 : memref<!tpu.dma_semaphore, #tpu.memory_space<semaphore_mem>>)
        } else {
        }
        %mul3A_57 = arith.constant 32 : i32
        %mul3A_58 = arith.muli %mul3A_57, %mul3A_30 : i32
        %add3A_59 = arith.addi %add3A, %mul3A_58 : i32
        %mul3A_60 = arith.constant 2048 : i32
        %mul3A_61 = arith.muli %add3A_59, %mul3A_60 : i32
        %dma_wait3A = tpu.memref_slice %arg2[%mul3A_61] : memref<6400000xf32, #tpu.memory_space<hbm>> -> memref<2048xf32, #tpu.memory_space<hbm>>
        %dma_wait3A_62 = tpu.memref_slice %arg2[%mul3A_61] : memref<6400000xf32, #tpu.memory_space<hbm>> -> memref<2048xf32, #tpu.memory_space<hbm>>
        tpu.wait_dma2 semaphore(%arg10 : memref<!tpu.dma_semaphore, #tpu.memory_space<semaphore_mem>>) src(%dma_wait3A_62 : memref<2048xf32, #tpu.memory_space<hbm>>) dst(%arg6 : memref<2048xf32, #tpu.memory_space<vmem>>)
        %mul3A_63 = arith.constant 32 : i32
        %mul3A_64 = arith.muli %add3A_59, %mul3A_63 : i32
        %dma_wait3A_65 = arith.constant 0 : i32
        %dma_wait3A_66 = tpu.memref_slice %arg3[%mul3A_64, %dma_wait3A_65] : memref<100000x128xi32, #tpu.memory_space<hbm>> -> memref<32x128xi32, #tpu.memory_space<hbm>>
        %dma_wait3A_67 = arith.constant 0 : i32
        %dma_wait3A_68 = tpu.memref_slice %arg3[%mul3A_64, %dma_wait3A_67] : memref<100000x128xi32, #tpu.memory_space<hbm>> -> memref<32x128xi32, #tpu.memory_space<hbm>>
        tpu.wait_dma2 semaphore(%arg10 : memref<!tpu.dma_semaphore, #tpu.memory_space<semaphore_mem>>) src(%dma_wait3A_68 : memref<32x128xi32, #tpu.memory_space<hbm>>) dst(%arg8 : memref<32x128xi32, #tpu.memory_space<vmem>>)
        %parallel_loop3A = arith.constant 0 : i32
        %parallel_loop3A_69 = arith.constant 128 : i32
        %parallel_loop3A_70 = arith.constant 1 : i32
        scf.for %parallel_loop3A_71 = %parallel_loop3A to %parallel_loop3A_69 step %parallel_loop3A_70  : i32 {
          %parallel_loop3A_72 = arith.constant 8 : i32
          %parallel_loop3A_73 = arith.divsi %parallel_loop3A_71, %parallel_loop3A_72 : i32
          %parallel_loop3A_74 = arith.constant 0 : i32
          %parallel_loop3A_75 = arith.cmpi sgt, %parallel_loop3A_71, %parallel_loop3A_74 : i32
          %parallel_loop3A_76 = arith.extui %parallel_loop3A_75 : i1 to i32
          %parallel_loop3A_77 = arith.constant 0 : i32
          %parallel_loop3A_78 = arith.cmpi slt, %parallel_loop3A_71, %parallel_loop3A_77 : i32
          %parallel_loop3A_79 = arith.extui %parallel_loop3A_78 : i1 to i32
          %parallel_loop3A_80 = arith.subi %parallel_loop3A_76, %parallel_loop3A_79 : i32
          %parallel_loop3A_81 = arith.constant 0 : i32
          %parallel_loop3A_82 = arith.cmpi sgt, %parallel_loop3A_72, %parallel_loop3A_81 : i32
          %parallel_loop3A_83 = arith.extui %parallel_loop3A_82 : i1 to i32
          %parallel_loop3A_84 = arith.constant 0 : i32
          %parallel_loop3A_85 = arith.cmpi slt, %parallel_loop3A_72, %parallel_loop3A_84 : i32
          %parallel_loop3A_86 = arith.extui %parallel_loop3A_85 : i1 to i32
          %parallel_loop3A_87 = arith.subi %parallel_loop3A_83, %parallel_loop3A_86 : i32
          %parallel_loop3A_88 = arith.cmpi ne, %parallel_loop3A_80, %parallel_loop3A_87 : i32
          %parallel_loop3A_89 = arith.remsi %parallel_loop3A_71, %parallel_loop3A_72 : i32
          %parallel_loop3A_90 = arith.constant 0 : i32
          %parallel_loop3A_91 = arith.cmpi ne, %parallel_loop3A_89, %parallel_loop3A_90 : i32
          %parallel_loop3A_92 = arith.andi %parallel_loop3A_88, %parallel_loop3A_91 : i1
          %parallel_loop3A_93 = arith.constant 1 : i32
          %parallel_loop3A_94 = arith.subi %parallel_loop3A_73, %parallel_loop3A_93 : i32
          %parallel_loop3A_95 = arith.select %parallel_loop3A_92, %parallel_loop3A_94, %parallel_loop3A_73 : i32
          %parallel_loop3A_96 = arith.constant 8 : i32
          %parallel_loop3A_97 = arith.muli %parallel_loop3A_95, %parallel_loop3A_96 : i32
          %parallel_loop3A_98 = arith.subi %parallel_loop3A_71, %parallel_loop3A_97 : i32
          %parallel_loop3A_99 = arith.constant 16 : i32
          %parallel_loop3A_100 = arith.muli %parallel_loop3A_98, %parallel_loop3A_99 : i32
          %parallel_loop3A_101 = arith.constant 16 : i32
          %parallel_loop3A_102 = arith.muli %parallel_loop3A_71, %parallel_loop3A_101 : i32
          %parallel_loop3A_103 = arith.index_cast %parallel_loop3A_102 : i32 to index
          %parallel_loop3A_104 = tpu.vector_load %arg6[%parallel_loop3A_103] {strides = array<i32>} : memref<2048xf32, #tpu.memory_space<vmem>>, vector<16xf32>,
          %parallel_loop3A_105 = arith.constant 2 : i32
          %parallel_loop3A_106 = arith.muli %parallel_loop3A_105, %parallel_loop3A_95 : i32
          %parallel_loop3A_107 = arith.index_cast %parallel_loop3A_106 : i32 to index
          %parallel_loop3A_108 = arith.index_cast %parallel_loop3A_100 : i32 to index
          %parallel_loop3A_109 = tpu.vector_load %arg8[%parallel_loop3A_107, %parallel_loop3A_108] {strides = array<i32>} : memref<32x128xi32, #tpu.memory_space<vmem>>, vector<16xi32>,
          %parallel_loop3A_110 = arith.constant 2 : i32
          %parallel_loop3A_111 = arith.muli %parallel_loop3A_110, %parallel_loop3A_95 : i32
          %parallel_loop3A_112 = arith.constant 1 : i32
          %parallel_loop3A_113 = arith.addi %parallel_loop3A_111, %parallel_loop3A_112 : i32
          %parallel_loop3A_114 = arith.index_cast %parallel_loop3A_113 : i32 to index
          %parallel_loop3A_115 = arith.index_cast %parallel_loop3A_100 : i32 to index
          %parallel_loop3A_116 = tpu.vector_load %arg8[%parallel_loop3A_114, %parallel_loop3A_115] {strides = array<i32>} : memref<32x128xi32, #tpu.memory_space<vmem>>, vector<16xi32>,
          %parallel_loop3A_117 = arith.constant 4.500000e+01 : f32
          %parallel_loop3A_118 = vector.broadcast %parallel_loop3A_117 : f32 to vector<16xf32>
          %parallel_loop3A_119 = arith.mulf %parallel_loop3A_104, %parallel_loop3A_118 : vector<16xf32>
          tpu.vector_store_idx %arg5[%parallel_loop3A_116], %parallel_loop3A_119 {add = true} : memref<100000xf32, #tpu.memory_space<vmem>>[vector<16xi32>], vector<16xf32>,
          %parallel_loop3A_120 = arith.constant 0.000000e+00 : f32
          %parallel_loop3A_121 = vector.broadcast %parallel_loop3A_120 : f32 to vector<16xf32>
          %parallel_loop3A_122 = arith.subf %parallel_loop3A_121, %parallel_loop3A_119 : vector<16xf32>
          tpu.vector_store_idx %arg5[%parallel_loop3A_109], %parallel_loop3A_122 {add = true} : memref<100000xf32, #tpu.memory_space<vmem>>[vector<16xi32>], vector<16xf32>,
        } {sc.loop_unroll_factor = 8 : i64, sc.parallel_access}
      } else {
      }
      %add3A_36 = arith.constant 1 : i32
      %add3A_37 = arith.addi %mul3A_30, %add3A_36 : i32
      %mul3A_38 = arith.constant 32 : i32
      %mul3A_39 = arith.muli %mul3A_38, %add3A_37 : i32
      %add3A_40 = arith.addi %add3A, %mul3A_39 : i32
      %lt3A_41 = arith.constant 3125 : i32
      %lt3A_42 = arith.cmpi slt, %add3A_40, %lt3A_41 : i32
      %convert_element_type3A_43 = arith.extui %lt3A_42 : i1 to i32
      %cond3A_44 = arith.constant 0 : i32
      %cond3A_45 = arith.cmpi ne, %convert_element_type3A_43, %cond3A_44 : i32
      scf.if %cond3A_45 {
        %add3A_47 = arith.constant 1 : i32
        %add3A_48 = arith.addi %mul3A_30, %add3A_47 : i32
        %mul3A_49 = arith.constant 32 : i32
        %mul3A_50 = arith.muli %mul3A_49, %add3A_48 : i32
        %add3A_51 = arith.addi %add3A, %mul3A_50 : i32
        %add3A_52 = arith.constant 32 : i32
        %add3A_53 = arith.addi %add3A_51, %add3A_52 : i32
        %lt3A_54 = arith.constant 3125 : i32
        %lt3A_55 = arith.cmpi slt, %add3A_53, %lt3A_54 : i32
        %convert_element_type3A_56 = arith.extui %lt3A_55 : i1 to i32
        %cond3A_57 = arith.constant 0 : i32
        %cond3A_58 = arith.cmpi ne, %convert_element_type3A_56, %cond3A_57 : i32
        scf.if %cond3A_58 {
          %add3A_73 = arith.constant 1 : i32
          %add3A_74 = arith.addi %add3A_48, %add3A_73 : i32
          %mul3A_75 = arith.constant 32 : i32
          %mul3A_76 = arith.muli %mul3A_75, %add3A_74 : i32
          %add3A_77 = arith.addi %add3A, %mul3A_76 : i32
          %mul3A_78 = arith.constant 2048 : i32
          %mul3A_79 = arith.muli %add3A_77, %mul3A_78 : i32
          %dma_start3A_80 = tpu.memref_slice %arg2[%mul3A_79] : memref<6400000xf32, #tpu.memory_space<hbm>> -> memref<2048xf32, #tpu.memory_space<hbm>>
          %dma_start3A_81 = tpu.memref_slice %arg2[%mul3A_79] : memref<6400000xf32, #tpu.memory_space<hbm>> -> memref<2048xf32, #tpu.memory_space<hbm>>
          tpu.enqueue_dma source(%dma_start3A_81 : memref<2048xf32, #tpu.memory_space<hbm>>) target(%arg6 : memref<2048xf32, #tpu.memory_space<vmem>>) target_semaphore(%arg10 : memref<!tpu.dma_semaphore, #tpu.memory_space<semaphore_mem>>)
          %mul3A_82 = arith.constant 32 : i32
          %mul3A_83 = arith.muli %add3A_77, %mul3A_82 : i32
          %dma_start3A_84 = arith.constant 0 : i32
          %dma_start3A_85 = tpu.memref_slice %arg3[%mul3A_83, %dma_start3A_84] : memref<100000x128xi32, #tpu.memory_space<hbm>> -> memref<32x128xi32, #tpu.memory_space<hbm>>
          %dma_start3A_86 = arith.constant 0 : i32
          %dma_start3A_87 = tpu.memref_slice %arg3[%mul3A_83, %dma_start3A_86] : memref<100000x128xi32, #tpu.memory_space<hbm>> -> memref<32x128xi32, #tpu.memory_space<hbm>>
          tpu.enqueue_dma source(%dma_start3A_87 : memref<32x128xi32, #tpu.memory_space<hbm>>) target(%arg8 : memref<32x128xi32, #tpu.memory_space<vmem>>) target_semaphore(%arg10 : memref<!tpu.dma_semaphore, #tpu.memory_space<semaphore_mem>>)
        } else {
        }
        %mul3A_59 = arith.constant 32 : i32
        %mul3A_60 = arith.muli %mul3A_59, %add3A_48 : i32
        %add3A_61 = arith.addi %add3A, %mul3A_60 : i32
        %mul3A_62 = arith.constant 2048 : i32
        %mul3A_63 = arith.muli %add3A_61, %mul3A_62 : i32
        %dma_wait3A = tpu.memref_slice %arg2[%mul3A_63] : memref<6400000xf32, #tpu.memory_space<hbm>> -> memref<2048xf32, #tpu.memory_space<hbm>>
        %dma_wait3A_64 = tpu.memref_slice %arg2[%mul3A_63] : memref<6400000xf32, #tpu.memory_space<hbm>> -> memref<2048xf32, #tpu.memory_space<hbm>>
        tpu.wait_dma2 semaphore(%arg11 : memref<!tpu.dma_semaphore, #tpu.memory_space<semaphore_mem>>) src(%dma_wait3A_64 : memref<2048xf32, #tpu.memory_space<hbm>>) dst(%arg7 : memref<2048xf32, #tpu.memory_space<vmem>>)
        %mul3A_65 = arith.constant 32 : i32
        %mul3A_66 = arith.muli %add3A_61, %mul3A_65 : i32
        %dma_wait3A_67 = arith.constant 0 : i32
        %dma_wait3A_68 = tpu.memref_slice %arg3[%mul3A_66, %dma_wait3A_67] : memref<100000x128xi32, #tpu.memory_space<hbm>> -> memref<32x128xi32, #tpu.memory_space<hbm>>
        %dma_wait3A_69 = arith.constant 0 : i32
        %dma_wait3A_70 = tpu.memref_slice %arg3[%mul3A_66, %dma_wait3A_69] : memref<100000x128xi32, #tpu.memory_space<hbm>> -> memref<32x128xi32, #tpu.memory_space<hbm>>
        tpu.wait_dma2 semaphore(%arg11 : memref<!tpu.dma_semaphore, #tpu.memory_space<semaphore_mem>>) src(%dma_wait3A_70 : memref<32x128xi32, #tpu.memory_space<hbm>>) dst(%arg9 : memref<32x128xi32, #tpu.memory_space<vmem>>)
        %parallel_loop3A = arith.constant 0 : i32
        %parallel_loop3A_71 = arith.constant 128 : i32
        %parallel_loop3A_72 = arith.constant 1 : i32
        scf.for %parallel_loop3A_73 = %parallel_loop3A to %parallel_loop3A_71 step %parallel_loop3A_72  : i32 {
          %parallel_loop3A_74 = arith.constant 8 : i32
          %parallel_loop3A_75 = arith.divsi %parallel_loop3A_73, %parallel_loop3A_74 : i32
          %parallel_loop3A_76 = arith.constant 0 : i32
          %parallel_loop3A_77 = arith.cmpi sgt, %parallel_loop3A_73, %parallel_loop3A_76 : i32
          %parallel_loop3A_78 = arith.extui %parallel_loop3A_77 : i1 to i32
          %parallel_loop3A_79 = arith.constant 0 : i32
          %parallel_loop3A_80 = arith.cmpi slt, %parallel_loop3A_73, %parallel_loop3A_79 : i32
          %parallel_loop3A_81 = arith.extui %parallel_loop3A_80 : i1 to i32
          %parallel_loop3A_82 = arith.subi %parallel_loop3A_78, %parallel_loop3A_81 : i32
          %parallel_loop3A_83 = arith.constant 0 : i32
          %parallel_loop3A_84 = arith.cmpi sgt, %parallel_loop3A_74, %parallel_loop3A_83 : i32
          %parallel_loop3A_85 = arith.extui %parallel_loop3A_84 : i1 to i32
          %parallel_loop3A_86 = arith.constant 0 : i32
          %parallel_loop3A_87 = arith.cmpi slt, %parallel_loop3A_74, %parallel_loop3A_86 : i32
          %parallel_loop3A_88 = arith.extui %parallel_loop3A_87 : i1 to i32
          %parallel_loop3A_89 = arith.subi %parallel_loop3A_85, %parallel_loop3A_88 : i32
          %parallel_loop3A_90 = arith.cmpi ne, %parallel_loop3A_82, %parallel_loop3A_89 : i32
          %parallel_loop3A_91 = arith.remsi %parallel_loop3A_73, %parallel_loop3A_74 : i32
          %parallel_loop3A_92 = arith.constant 0 : i32
          %parallel_loop3A_93 = arith.cmpi ne, %parallel_loop3A_91, %parallel_loop3A_92 : i32
          %parallel_loop3A_94 = arith.andi %parallel_loop3A_90, %parallel_loop3A_93 : i1
          %parallel_loop3A_95 = arith.constant 1 : i32
          %parallel_loop3A_96 = arith.subi %parallel_loop3A_75, %parallel_loop3A_95 : i32
          %parallel_loop3A_97 = arith.select %parallel_loop3A_94, %parallel_loop3A_96, %parallel_loop3A_75 : i32
          %parallel_loop3A_98 = arith.constant 8 : i32
          %parallel_loop3A_99 = arith.muli %parallel_loop3A_97, %parallel_loop3A_98 : i32
          %parallel_loop3A_100 = arith.subi %parallel_loop3A_73, %parallel_loop3A_99 : i32
          %parallel_loop3A_101 = arith.constant 16 : i32
          %parallel_loop3A_102 = arith.muli %parallel_loop3A_100, %parallel_loop3A_101 : i32
          %parallel_loop3A_103 = arith.constant 16 : i32
          %parallel_loop3A_104 = arith.muli %parallel_loop3A_73, %parallel_loop3A_103 : i32
          %parallel_loop3A_105 = arith.index_cast %parallel_loop3A_104 : i32 to index
          %parallel_loop3A_106 = tpu.vector_load %arg7[%parallel_loop3A_105] {strides = array<i32>} : memref<2048xf32, #tpu.memory_space<vmem>>, vector<16xf32>,
          %parallel_loop3A_107 = arith.constant 2 : i32
          %parallel_loop3A_108 = arith.muli %parallel_loop3A_107, %parallel_loop3A_97 : i32
          %parallel_loop3A_109 = arith.index_cast %parallel_loop3A_108 : i32 to index
          %parallel_loop3A_110 = arith.index_cast %parallel_loop3A_102 : i32 to index
          %parallel_loop3A_111 = tpu.vector_load %arg9[%parallel_loop3A_109, %parallel_loop3A_110] {strides = array<i32>} : memref<32x128xi32, #tpu.memory_space<vmem>>, vector<16xi32>,
          %parallel_loop3A_112 = arith.constant 2 : i32
          %parallel_loop3A_113 = arith.muli %parallel_loop3A_112, %parallel_loop3A_97 : i32
          %parallel_loop3A_114 = arith.constant 1 : i32
          %parallel_loop3A_115 = arith.addi %parallel_loop3A_113, %parallel_loop3A_114 : i32
          %parallel_loop3A_116 = arith.index_cast %parallel_loop3A_115 : i32 to index
          %parallel_loop3A_117 = arith.index_cast %parallel_loop3A_102 : i32 to index
          %parallel_loop3A_118 = tpu.vector_load %arg9[%parallel_loop3A_116, %parallel_loop3A_117] {strides = array<i32>} : memref<32x128xi32, #tpu.memory_space<vmem>>, vector<16xi32>,
          %parallel_loop3A_119 = arith.constant 4.500000e+01 : f32
          %parallel_loop3A_120 = vector.broadcast %parallel_loop3A_119 : f32 to vector<16xf32>
          %parallel_loop3A_121 = arith.mulf %parallel_loop3A_106, %parallel_loop3A_120 : vector<16xf32>
          tpu.vector_store_idx %arg5[%parallel_loop3A_118], %parallel_loop3A_121 {add = true} : memref<100000xf32, #tpu.memory_space<vmem>>[vector<16xi32>], vector<16xf32>,
          %parallel_loop3A_122 = arith.constant 0.000000e+00 : f32
          %parallel_loop3A_123 = vector.broadcast %parallel_loop3A_122 : f32 to vector<16xf32>
          %parallel_loop3A_124 = arith.subf %parallel_loop3A_123, %parallel_loop3A_121 : vector<16xf32>
          tpu.vector_store_idx %arg5[%parallel_loop3A_111], %parallel_loop3A_124 {add = true} : memref<100000xf32, #tpu.memory_space<vmem>>[vector<16xi32>], vector<16xf32>,
        } {sc.loop_unroll_factor = 8 : i64, sc.parallel_access}
      } else {
      }
      %scan3A_46 = arith.constant 0 : i32
      scf.yield %scan3A_46 : i32
    }
    %scan3A_24 = arith.constant 49 : i32
    %mul3A_25 = arith.constant 100000 : i32
    %mul3A_26 = arith.muli %add3A, %mul3A_25 : i32
    "tpu.region"() ({
      %run_scoped3A = tpu.sem_alloc : memref<!tpu.dma_semaphore, #tpu.memory_space<semaphore_mem>>
      %dma_start3A_27 = tpu.memref_slice %arg4[%mul3A_26] : memref<3200000xf32, #tpu.memory_space<hbm>> -> memref<100000xf32, #tpu.memory_space<hbm>>
      %dma_start3A_28 = tpu.memref_slice %arg4[%mul3A_26] : memref<3200000xf32, #tpu.memory_space<hbm>> -> memref<100000xf32, #tpu.memory_space<hbm>>
      tpu.enqueue_dma source(%arg5 : memref<100000xf32, #tpu.memory_space<vmem>>) target(%dma_start3A_28 : memref<100000xf32, #tpu.memory_space<hbm>>) target_semaphore(%run_scoped3A : memref<!tpu.dma_semaphore, #tpu.memory_space<semaphore_mem>>)
      %dma_wait3A = tpu.memref_slice %arg4[%mul3A_26] : memref<3200000xf32, #tpu.memory_space<hbm>> -> memref<100000xf32, #tpu.memory_space<hbm>>
      %dma_wait3A_29 = tpu.memref_slice %arg4[%mul3A_26] : memref<3200000xf32, #tpu.memory_space<hbm>> -> memref<100000xf32, #tpu.memory_space<hbm>>
      tpu.wait_dma2 semaphore(%run_scoped3A : memref<!tpu.dma_semaphore, #tpu.memory_space<semaphore_mem>>) src(%arg5 : memref<100000xf32, #tpu.memory_space<vmem>>) dst(%dma_wait3A_29 : memref<100000xf32, #tpu.memory_space<hbm>>)
      tpu.yield
    }) : () -> ()
    return
  }
}

#map = affine_map<(d0, d1) -> (0)>
module attributes {stable_mosaic.version = 14 : i64} {
  func.func @node_loss(%arg0: i32, %arg1: i32, %arg2: memref<3200000xf32, #tpu.memory_space<hbm>>, %arg3: memref<100000xf32, #tpu.memory_space<hbm>>, %arg4: memref<100000xf32, #tpu.memory_space<hbm>>, %arg5: memref<100000xf32, #tpu.memory_space<hbm>>, %arg6: memref<100000xf32, #tpu.memory_space<hbm>>, %arg7: memref<512xf32, #tpu.memory_space<hbm>>, %arg8: memref<3136xf32, #tpu.memory_space<vmem>>, %arg9: memref<3136xf32, #tpu.memory_space<vmem>>, %arg10: memref<3136xf32, #tpu.memory_space<vmem>>, %arg11: memref<3136xf32, #tpu.memory_space<vmem>>, %arg12: memref<3136xf32, #tpu.memory_space<vmem>>, %arg13: memref<3136xf32, #tpu.memory_space<vmem>>, %arg14: memref<3136xf32, #tpu.memory_space<vmem>>, %arg15: memref<16xf32, #tpu.memory_space<vmem>>, %arg16: memref<!tpu.dma_semaphore, #tpu.memory_space<semaphore_mem>>, %arg17: memref<!tpu.dma_semaphore, #tpu.memory_space<semaphore_mem>>) attributes {dimension_semantics = [#tpu.dimension_semantics<core_parallel>, #tpu.dimension_semantics<subcore_parallel>], iteration_bounds = array<i64: 2, 16>, scalar_prefetch = 0 : i64, scratch_operands = 10 : i64, tpu.core_type = #tpu.core_type<sc_vector_subcore>, window_params = [{transform_indices = #map}, {transform_indices = #map}, {transform_indices = #map}, {transform_indices = #map}, {transform_indices = #map}, {transform_indices = #map}]} {
    %mul3A = arith.constant 2 : i32
    %mul3A_0 = arith.muli %arg1, %mul3A : i32
    %add3A = arith.addi %mul3A_0, %arg0 : i32
    %iota3A = tpu.iota {dimensions = array<i32: 0>} : vector<16xi32>
    %mul3A_1 = arith.constant 3136 : i32
    %mul3A_2 = arith.muli %add3A, %mul3A_1 : i32
    %min3A = arith.constant 96864 : i32
    %min3A_3 = arith.minsi %mul3A_2, %min3A : i32
    "tpu.region"() ({
      %run_scoped3A = tpu.sem_alloc : memref<!tpu.dma_semaphore, #tpu.memory_space<semaphore_mem>>
      %dma_start3A_25 = tpu.memref_slice %arg3[%min3A_3] : memref<100000xf32, #tpu.memory_space<hbm>> -> memref<3136xf32, #tpu.memory_space<hbm>>
      %dma_start3A_26 = tpu.memref_slice %arg3[%min3A_3] : memref<100000xf32, #tpu.memory_space<hbm>> -> memref<3136xf32, #tpu.memory_space<hbm>>
      tpu.enqueue_dma source(%dma_start3A_26 : memref<3136xf32, #tpu.memory_space<hbm>>) target(%arg11 : memref<3136xf32, #tpu.memory_space<vmem>>) target_semaphore(%run_scoped3A : memref<!tpu.dma_semaphore, #tpu.memory_space<semaphore_mem>>)
      %dma_wait3A = tpu.memref_slice %arg3[%min3A_3] : memref<100000xf32, #tpu.memory_space<hbm>> -> memref<3136xf32, #tpu.memory_space<hbm>>
      %dma_wait3A_27 = tpu.memref_slice %arg3[%min3A_3] : memref<100000xf32, #tpu.memory_space<hbm>> -> memref<3136xf32, #tpu.memory_space<hbm>>
      tpu.wait_dma2 semaphore(%run_scoped3A : memref<!tpu.dma_semaphore, #tpu.memory_space<semaphore_mem>>) src(%dma_wait3A_27 : memref<3136xf32, #tpu.memory_space<hbm>>) dst(%arg11 : memref<3136xf32, #tpu.memory_space<vmem>>)
      tpu.yield
    }) : () -> ()
    "tpu.region"() ({
      %run_scoped3A = tpu.sem_alloc : memref<!tpu.dma_semaphore, #tpu.memory_space<semaphore_mem>>
      %dma_start3A_25 = tpu.memref_slice %arg4[%min3A_3] : memref<100000xf32, #tpu.memory_space<hbm>> -> memref<3136xf32, #tpu.memory_space<hbm>>
      %dma_start3A_26 = tpu.memref_slice %arg4[%min3A_3] : memref<100000xf32, #tpu.memory_space<hbm>> -> memref<3136xf32, #tpu.memory_space<hbm>>
      tpu.enqueue_dma source(%dma_start3A_26 : memref<3136xf32, #tpu.memory_space<hbm>>) target(%arg12 : memref<3136xf32, #tpu.memory_space<vmem>>) target_semaphore(%run_scoped3A : memref<!tpu.dma_semaphore, #tpu.memory_space<semaphore_mem>>)
      %dma_wait3A = tpu.memref_slice %arg4[%min3A_3] : memref<100000xf32, #tpu.memory_space<hbm>> -> memref<3136xf32, #tpu.memory_space<hbm>>
      %dma_wait3A_27 = tpu.memref_slice %arg4[%min3A_3] : memref<100000xf32, #tpu.memory_space<hbm>> -> memref<3136xf32, #tpu.memory_space<hbm>>
      tpu.wait_dma2 semaphore(%run_scoped3A : memref<!tpu.dma_semaphore, #tpu.memory_space<semaphore_mem>>) src(%dma_wait3A_27 : memref<3136xf32, #tpu.memory_space<hbm>>) dst(%arg12 : memref<3136xf32, #tpu.memory_space<vmem>>)
      tpu.yield
    }) : () -> ()
    "tpu.region"() ({
      %run_scoped3A = tpu.sem_alloc : memref<!tpu.dma_semaphore, #tpu.memory_space<semaphore_mem>>
      %dma_start3A_25 = tpu.memref_slice %arg5[%min3A_3] : memref<100000xf32, #tpu.memory_space<hbm>> -> memref<3136xf32, #tpu.memory_space<hbm>>
      %dma_start3A_26 = tpu.memref_slice %arg5[%min3A_3] : memref<100000xf32, #tpu.memory_space<hbm>> -> memref<3136xf32, #tpu.memory_space<hbm>>
      tpu.enqueue_dma source(%dma_start3A_26 : memref<3136xf32, #tpu.memory_space<hbm>>) target(%arg13 : memref<3136xf32, #tpu.memory_space<vmem>>) target_semaphore(%run_scoped3A : memref<!tpu.dma_semaphore, #tpu.memory_space<semaphore_mem>>)
      %dma_wait3A = tpu.memref_slice %arg5[%min3A_3] : memref<100000xf32, #tpu.memory_space<hbm>> -> memref<3136xf32, #tpu.memory_space<hbm>>
      %dma_wait3A_27 = tpu.memref_slice %arg5[%min3A_3] : memref<100000xf32, #tpu.memory_space<hbm>> -> memref<3136xf32, #tpu.memory_space<hbm>>
      tpu.wait_dma2 semaphore(%run_scoped3A : memref<!tpu.dma_semaphore, #tpu.memory_space<semaphore_mem>>) src(%dma_wait3A_27 : memref<3136xf32, #tpu.memory_space<hbm>>) dst(%arg13 : memref<3136xf32, #tpu.memory_space<vmem>>)
      tpu.yield
    }) : () -> ()
    "tpu.region"() ({
      %run_scoped3A = tpu.sem_alloc : memref<!tpu.dma_semaphore, #tpu.memory_space<semaphore_mem>>
      %dma_start3A_25 = tpu.memref_slice %arg6[%min3A_3] : memref<100000xf32, #tpu.memory_space<hbm>> -> memref<3136xf32, #tpu.memory_space<hbm>>
      %dma_start3A_26 = tpu.memref_slice %arg6[%min3A_3] : memref<100000xf32, #tpu.memory_space<hbm>> -> memref<3136xf32, #tpu.memory_space<hbm>>
      tpu.enqueue_dma source(%dma_start3A_26 : memref<3136xf32, #tpu.memory_space<hbm>>) target(%arg14 : memref<3136xf32, #tpu.memory_space<vmem>>) target_semaphore(%run_scoped3A : memref<!tpu.dma_semaphore, #tpu.memory_space<semaphore_mem>>)
      %dma_wait3A = tpu.memref_slice %arg6[%min3A_3] : memref<100000xf32, #tpu.memory_space<hbm>> -> memref<3136xf32, #tpu.memory_space<hbm>>
      %dma_wait3A_27 = tpu.memref_slice %arg6[%min3A_3] : memref<100000xf32, #tpu.memory_space<hbm>> -> memref<3136xf32, #tpu.memory_space<hbm>>
      tpu.wait_dma2 semaphore(%run_scoped3A : memref<!tpu.dma_semaphore, #tpu.memory_space<semaphore_mem>>) src(%dma_wait3A_27 : memref<3136xf32, #tpu.memory_space<hbm>>) dst(%arg14 : memref<3136xf32, #tpu.memory_space<vmem>>)
      tpu.yield
    }) : () -> ()
    "tpu.region"() ({
      %run_scoped3A = tpu.sem_alloc : memref<!tpu.dma_semaphore, #tpu.memory_space<semaphore_mem>>
      %dma_start3A_25 = tpu.memref_slice %arg2[%min3A_3] : memref<3200000xf32, #tpu.memory_space<hbm>> -> memref<3136xf32, #tpu.memory_space<hbm>>
      %dma_start3A_26 = tpu.memref_slice %arg2[%min3A_3] : memref<3200000xf32, #tpu.memory_space<hbm>> -> memref<3136xf32, #tpu.memory_space<hbm>>
      tpu.enqueue_dma source(%dma_start3A_26 : memref<3136xf32, #tpu.memory_space<hbm>>) target(%arg8 : memref<3136xf32, #tpu.memory_space<vmem>>) target_semaphore(%run_scoped3A : memref<!tpu.dma_semaphore, #tpu.memory_space<semaphore_mem>>)
      %dma_wait3A = tpu.memref_slice %arg2[%min3A_3] : memref<3200000xf32, #tpu.memory_space<hbm>> -> memref<3136xf32, #tpu.memory_space<hbm>>
      %dma_wait3A_27 = tpu.memref_slice %arg2[%min3A_3] : memref<3200000xf32, #tpu.memory_space<hbm>> -> memref<3136xf32, #tpu.memory_space<hbm>>
      tpu.wait_dma2 semaphore(%run_scoped3A : memref<!tpu.dma_semaphore, #tpu.memory_space<semaphore_mem>>) src(%dma_wait3A_27 : memref<3136xf32, #tpu.memory_space<hbm>>) dst(%arg8 : memref<3136xf32, #tpu.memory_space<vmem>>)
      tpu.yield
    }) : () -> ()
    %add3A_4 = arith.constant 100000 : i32
    %add3A_5 = arith.addi %add3A_4, %min3A_3 : i32
    %dma_start3A = tpu.memref_slice %arg2[%add3A_5] : memref<3200000xf32, #tpu.memory_space<hbm>> -> memref<3136xf32, #tpu.memory_space<hbm>>
    %dma_start3A_6 = tpu.memref_slice %arg2[%add3A_5] : memref<3200000xf32, #tpu.memory_space<hbm>> -> memref<3136xf32, #tpu.memory_space<hbm>>
    tpu.enqueue_dma source(%dma_start3A_6 : memref<3136xf32, #tpu.memory_space<hbm>>) target(%arg10 : memref<3136xf32, #tpu.memory_space<vmem>>) target_semaphore(%arg17 : memref<!tpu.dma_semaphore, #tpu.memory_space<semaphore_mem>>)
    %scan3A = arith.constant 0 : i32
    %scan3A_7 = arith.constant 0 : i32
    %scan3A_8 = arith.constant 16 : i32
    %scan3A_9 = arith.addi %scan3A_7, %scan3A_8 : i32
    %scan3A_10 = arith.constant 1 : i32
    %scan3A_11 = scf.for %scan3A_25 = %scan3A_7 to %scan3A_9 step %scan3A_10 iter_args(%scan3A_26 = %scan3A) -> (i32)  : i32 {
      %mul3A_27 = arith.constant 2 : i32
      %mul3A_28 = arith.muli %scan3A_25, %mul3A_27 : i32
      %add3A_29 = arith.constant 1 : i32
      %add3A_30 = arith.addi %mul3A_28, %add3A_29 : i32
      %lt3A = arith.constant 32 : i32
      %lt3A_31 = arith.cmpi slt, %add3A_30, %lt3A : i32
      %convert_element_type3A = arith.extui %lt3A_31 : i1 to i32
      %cond3A = arith.constant 0 : i32
      %cond3A_32 = arith.cmpi ne, %convert_element_type3A, %cond3A : i32
      scf.if %cond3A_32 {
        %add3A_41 = arith.constant 1 : i32
        %add3A_42 = arith.addi %add3A_30, %add3A_41 : i32
        %lt3A_43 = arith.constant 32 : i32
        %lt3A_44 = arith.cmpi slt, %add3A_42, %lt3A_43 : i32
        %convert_element_type3A_45 = arith.extui %lt3A_44 : i1 to i32
        %cond3A_46 = arith.constant 0 : i32
        %cond3A_47 = arith.cmpi ne, %convert_element_type3A_45, %cond3A_46 : i32
        scf.if %cond3A_47 {
          %add3A_59 = arith.constant 1 : i32
          %add3A_60 = arith.addi %add3A_30, %add3A_59 : i32
          %mul3A_61 = arith.constant 100000 : i32
          %mul3A_62 = arith.muli %add3A_60, %mul3A_61 : i32
          %add3A_63 = arith.addi %mul3A_62, %min3A_3 : i32
          %dma_start3A_64 = tpu.memref_slice %arg2[%add3A_63] : memref<3200000xf32, #tpu.memory_space<hbm>> -> memref<3136xf32, #tpu.memory_space<hbm>>
          %dma_start3A_65 = tpu.memref_slice %arg2[%add3A_63] : memref<3200000xf32, #tpu.memory_space<hbm>> -> memref<3136xf32, #tpu.memory_space<hbm>>
          tpu.enqueue_dma source(%dma_start3A_65 : memref<3136xf32, #tpu.memory_space<hbm>>) target(%arg9 : memref<3136xf32, #tpu.memory_space<vmem>>) target_semaphore(%arg16 : memref<!tpu.dma_semaphore, #tpu.memory_space<semaphore_mem>>)
        } else {
        }
        %mul3A_48 = arith.constant 100000 : i32
        %mul3A_49 = arith.muli %add3A_30, %mul3A_48 : i32
        %add3A_50 = arith.addi %mul3A_49, %min3A_3 : i32
        %dma_wait3A = tpu.memref_slice %arg2[%add3A_50] : memref<3200000xf32, #tpu.memory_space<hbm>> -> memref<3136xf32, #tpu.memory_space<hbm>>
        %dma_wait3A_51 = tpu.memref_slice %arg2[%add3A_50] : memref<3200000xf32, #tpu.memory_space<hbm>> -> memref<3136xf32, #tpu.memory_space<hbm>>
        tpu.wait_dma2 semaphore(%arg17 : memref<!tpu.dma_semaphore, #tpu.memory_space<semaphore_mem>>) src(%dma_wait3A_51 : memref<3136xf32, #tpu.memory_space<hbm>>) dst(%arg10 : memref<3136xf32, #tpu.memory_space<vmem>>)
        %scan3A_52 = arith.constant 0 : i32
        %scan3A_53 = arith.constant 0 : i32
        %scan3A_54 = arith.constant 196 : i32
        %scan3A_55 = arith.addi %scan3A_53, %scan3A_54 : i32
        %scan3A_56 = arith.constant 1 : i32
        %scan3A_57 = scf.for %scan3A_59 = %scan3A_53 to %scan3A_55 step %scan3A_56 iter_args(%scan3A_60 = %scan3A_52) -> (i32)  : i32 {
          %mul3A_61 = arith.constant 16 : i32
          %mul3A_62 = arith.muli %scan3A_59, %mul3A_61 : i32
          %get3A = arith.index_cast %mul3A_62 : i32 to index
          %get3A_63 = tpu.vector_load %arg8[%get3A] {strides = array<i32>} : memref<3136xf32, #tpu.memory_space<vmem>>, vector<16xf32>,
          %get3A_64 = arith.index_cast %mul3A_62 : i32 to index
          %get3A_65 = tpu.vector_load %arg10[%get3A_64] {strides = array<i32>} : memref<3136xf32, #tpu.memory_space<vmem>>, vector<16xf32>,
          %add3A_66 = arith.addf %get3A_63, %get3A_65 : vector<16xf32>
          %swap3A_67 = arith.index_cast %mul3A_62 : i32 to index
          %swap3A_68 = tpu.vector_load %arg8[%swap3A_67] {strides = array<i32>} : memref<3136xf32, #tpu.memory_space<vmem>>, vector<16xf32>,
          tpu.vector_store %arg8[%swap3A_67], %add3A_66 {strides = array<i32>} : memref<3136xf32, #tpu.memory_space<vmem>>, vector<16xf32>,
          %scan3A_69 = arith.constant 0 : i32
          scf.yield %scan3A_69 : i32
        }
        %scan3A_58 = arith.constant 196 : i32
      } else {
      }
      %add3A_33 = arith.constant 1 : i32
      %add3A_34 = arith.addi %add3A_30, %add3A_33 : i32
      %lt3A_35 = arith.constant 32 : i32
      %lt3A_36 = arith.cmpi slt, %add3A_34, %lt3A_35 : i32
      %convert_element_type3A_37 = arith.extui %lt3A_36 : i1 to i32
      %cond3A_38 = arith.constant 0 : i32
      %cond3A_39 = arith.cmpi ne, %convert_element_type3A_37, %cond3A_38 : i32
      scf.if %cond3A_39 {
        %add3A_41 = arith.constant 1 : i32
        %add3A_42 = arith.addi %add3A_30, %add3A_41 : i32
        %add3A_43 = arith.constant 1 : i32
        %add3A_44 = arith.addi %add3A_42, %add3A_43 : i32
        %lt3A_45 = arith.constant 32 : i32
        %lt3A_46 = arith.cmpi slt, %add3A_44, %lt3A_45 : i32
        %convert_element_type3A_47 = arith.extui %lt3A_46 : i1 to i32
        %cond3A_48 = arith.constant 0 : i32
        %cond3A_49 = arith.cmpi ne, %convert_element_type3A_47, %cond3A_48 : i32
        scf.if %cond3A_49 {
          %add3A_61 = arith.constant 1 : i32
          %add3A_62 = arith.addi %add3A_42, %add3A_61 : i32
          %mul3A_63 = arith.constant 100000 : i32
          %mul3A_64 = arith.muli %add3A_62, %mul3A_63 : i32
          %add3A_65 = arith.addi %mul3A_64, %min3A_3 : i32
          %dma_start3A_66 = tpu.memref_slice %arg2[%add3A_65] : memref<3200000xf32, #tpu.memory_space<hbm>> -> memref<3136xf32, #tpu.memory_space<hbm>>
          %dma_start3A_67 = tpu.memref_slice %arg2[%add3A_65] : memref<3200000xf32, #tpu.memory_space<hbm>> -> memref<3136xf32, #tpu.memory_space<hbm>>
          tpu.enqueue_dma source(%dma_start3A_67 : memref<3136xf32, #tpu.memory_space<hbm>>) target(%arg10 : memref<3136xf32, #tpu.memory_space<vmem>>) target_semaphore(%arg17 : memref<!tpu.dma_semaphore, #tpu.memory_space<semaphore_mem>>)
        } else {
        }
        %mul3A_50 = arith.constant 100000 : i32
        %mul3A_51 = arith.muli %add3A_42, %mul3A_50 : i32
        %add3A_52 = arith.addi %mul3A_51, %min3A_3 : i32
        %dma_wait3A = tpu.memref_slice %arg2[%add3A_52] : memref<3200000xf32, #tpu.memory_space<hbm>> -> memref<3136xf32, #tpu.memory_space<hbm>>
        %dma_wait3A_53 = tpu.memref_slice %arg2[%add3A_52] : memref<3200000xf32, #tpu.memory_space<hbm>> -> memref<3136xf32, #tpu.memory_space<hbm>>
        tpu.wait_dma2 semaphore(%arg16 : memref<!tpu.dma_semaphore, #tpu.memory_space<semaphore_mem>>) src(%dma_wait3A_53 : memref<3136xf32, #tpu.memory_space<hbm>>) dst(%arg9 : memref<3136xf32, #tpu.memory_space<vmem>>)
        %scan3A_54 = arith.constant 0 : i32
        %scan3A_55 = arith.constant 0 : i32
        %scan3A_56 = arith.constant 196 : i32
        %scan3A_57 = arith.addi %scan3A_55, %scan3A_56 : i32
        %scan3A_58 = arith.constant 1 : i32
        %scan3A_59 = scf.for %scan3A_61 = %scan3A_55 to %scan3A_57 step %scan3A_58 iter_args(%scan3A_62 = %scan3A_54) -> (i32)  : i32 {
          %mul3A_63 = arith.constant 16 : i32
          %mul3A_64 = arith.muli %scan3A_61, %mul3A_63 : i32
          %get3A = arith.index_cast %mul3A_64 : i32 to index
          %get3A_65 = tpu.vector_load %arg8[%get3A] {strides = array<i32>} : memref<3136xf32, #tpu.memory_space<vmem>>, vector<16xf32>,
          %get3A_66 = arith.index_cast %mul3A_64 : i32 to index
          %get3A_67 = tpu.vector_load %arg9[%get3A_66] {strides = array<i32>} : memref<3136xf32, #tpu.memory_space<vmem>>, vector<16xf32>,
          %add3A_68 = arith.addf %get3A_65, %get3A_67 : vector<16xf32>
          %swap3A_69 = arith.index_cast %mul3A_64 : i32 to index
          %swap3A_70 = tpu.vector_load %arg8[%swap3A_69] {strides = array<i32>} : memref<3136xf32, #tpu.memory_space<vmem>>, vector<16xf32>,
          tpu.vector_store %arg8[%swap3A_69], %add3A_68 {strides = array<i32>} : memref<3136xf32, #tpu.memory_space<vmem>>, vector<16xf32>,
          %scan3A_71 = arith.constant 0 : i32
          scf.yield %scan3A_71 : i32
        }
        %scan3A_60 = arith.constant 196 : i32
      } else {
      }
      %scan3A_40 = arith.constant 0 : i32
      scf.yield %scan3A_40 : i32
    }
    %scan3A_12 = arith.constant 16 : i32
    %mul3A_13 = arith.constant 3136 : i32
    %mul3A_14 = arith.muli %add3A, %mul3A_13 : i32
    %broadcast_in_dim3A = arith.constant 0.000000e+00 : f32
    %broadcast_in_dim3A_15 = vector.broadcast %broadcast_in_dim3A : f32 to vector<16xf32>
    %scan3A_16 = arith.constant 0 : i32
    %scan3A_17 = arith.constant 196 : i32
    %scan3A_18 = arith.addi %scan3A_16, %scan3A_17 : i32
    %scan3A_19 = arith.constant 1 : i32
    %scan3A_20 = scf.for %scan3A_25 = %scan3A_16 to %scan3A_18 step %scan3A_19 iter_args(%scan3A_26 = %broadcast_in_dim3A_15) -> (vector<16xf32>)  : i32 {
      %mul3A_27 = arith.constant 16 : i32
      %mul3A_28 = arith.muli %scan3A_25, %mul3A_27 : i32
      %get3A = arith.index_cast %mul3A_28 : i32 to index
      %get3A_29 = tpu.vector_load %arg12[%get3A] {strides = array<i32>} : memref<3136xf32, #tpu.memory_space<vmem>>, vector<16xf32>,
      %get3A_30 = arith.index_cast %mul3A_28 : i32 to index
      %get3A_31 = tpu.vector_load %arg11[%get3A_30] {strides = array<i32>} : memref<3136xf32, #tpu.memory_space<vmem>>, vector<16xf32>,
      %sub3A = arith.subf %get3A_29, %get3A_31 : vector<16xf32>
      %mul3A_32 = arith.constant 2.000000e+00 : f32
      %mul3A_33 = vector.broadcast %mul3A_32 : f32 to vector<16xf32>
      %mul3A_34 = arith.mulf %sub3A, %mul3A_33 : vector<16xf32>
      %get3A_35 = arith.index_cast %mul3A_28 : i32 to index
      %get3A_36 = tpu.vector_load %arg8[%get3A_35] {strides = array<i32>} : memref<3136xf32, #tpu.memory_space<vmem>>, vector<16xf32>,
      %sub3A_37 = arith.subf %mul3A_34, %get3A_36 : vector<16xf32>
      %get3A_38 = arith.index_cast %mul3A_28 : i32 to index
      %get3A_39 = tpu.vector_load %arg13[%get3A_38] {strides = array<i32>} : memref<3136xf32, #tpu.memory_space<vmem>>, vector<16xf32>,
      %sub3A_40 = arith.subf %sub3A_37, %get3A_39 : vector<16xf32>
      %abs3A = math.absf %sub3A_40 : vector<16xf32>
      %get3A_41 = arith.index_cast %mul3A_28 : i32 to index
      %get3A_42 = tpu.vector_load %arg14[%get3A_41] {strides = array<i32>} : memref<3136xf32, #tpu.memory_space<vmem>>, vector<16xf32>,
      %mul3A_43 = arith.mulf %abs3A, %get3A_42 : vector<16xf32>
      %mul3A_44 = arith.constant 16 : i32
      %mul3A_45 = arith.muli %scan3A_25, %mul3A_44 : i32
      %add3A_46 = arith.addi %min3A_3, %mul3A_45 : i32
      %add3A_47 = vector.broadcast %add3A_46 : i32 to vector<16xi32>
      %add3A_48 = arith.addi %add3A_47, %iota3A : vector<16xi32>
      %ge3A = vector.broadcast %mul3A_14 : i32 to vector<16xi32>
      %ge3A_49 = arith.cmpi sge, %add3A_48, %ge3A : vector<16xi32>
      %lt3A = arith.constant 100000 : i32
      %lt3A_50 = vector.broadcast %lt3A : i32 to vector<16xi32>
      %lt3A_51 = arith.cmpi slt, %add3A_48, %lt3A_50 : vector<16xi32>
      %and3A = arith.andi %ge3A_49, %lt3A_51 : vector<16xi1>
      %broadcast_in_dim3A_52 = arith.constant 0.000000e+00 : f32
      %broadcast_in_dim3A_53 = vector.broadcast %broadcast_in_dim3A_52 : f32 to vector<16xf32>
      %select_n3A = arith.select %and3A, %mul3A_43, %broadcast_in_dim3A_53 : vector<16xi1>, vector<16xf32>
      %add3A_54 = arith.addf %scan3A_26, %select_n3A : vector<16xf32>
      scf.yield %add3A_54 : vector<16xf32>
    }
    %scan3A_21 = arith.constant 196 : i32
    %swap3A = arith.constant 0 : index
    %swap3A_22 = tpu.vector_load %arg15[%swap3A] {strides = array<i32>} : memref<16xf32, #tpu.memory_space<vmem>>, vector<16xf32>,
    tpu.vector_store %arg15[%swap3A], %scan3A_20 {strides = array<i32>} : memref<16xf32, #tpu.memory_space<vmem>>, vector<16xf32>,
    %mul3A_23 = arith.constant 16 : i32
    %mul3A_24 = arith.muli %add3A, %mul3A_23 : i32
    "tpu.region"() ({
      %run_scoped3A = tpu.sem_alloc : memref<!tpu.dma_semaphore, #tpu.memory_space<semaphore_mem>>
      %dma_start3A_25 = tpu.memref_slice %arg7[%mul3A_24] : memref<512xf32, #tpu.memory_space<hbm>> -> memref<16xf32, #tpu.memory_space<hbm>>
      %dma_start3A_26 = tpu.memref_slice %arg7[%mul3A_24] : memref<512xf32, #tpu.memory_space<hbm>> -> memref<16xf32, #tpu.memory_space<hbm>>
      tpu.enqueue_dma source(%arg15 : memref<16xf32, #tpu.memory_space<vmem>>) target(%dma_start3A_26 : memref<16xf32, #tpu.memory_space<hbm>>) target_semaphore(%run_scoped3A : memref<!tpu.dma_semaphore, #tpu.memory_space<semaphore_mem>>)
      %dma_wait3A = tpu.memref_slice %arg7[%mul3A_24] : memref<512xf32, #tpu.memory_space<hbm>> -> memref<16xf32, #tpu.memory_space<hbm>>
      %dma_wait3A_27 = tpu.memref_slice %arg7[%mul3A_24] : memref<512xf32, #tpu.memory_space<hbm>> -> memref<16xf32, #tpu.memory_space<hbm>>
      tpu.wait_dma2 semaphore(%run_scoped3A : memref<!tpu.dma_semaphore, #tpu.memory_space<semaphore_mem>>) src(%arg15 : memref<16xf32, #tpu.memory_space<vmem>>) dst(%dma_wait3A_27 : memref<16xf32, #tpu.memory_space<hbm>>)
      tpu.yield
    }) : () -> ()
    return
  }
}

</mosaic_0001>

<sc_bundles>
// kernel: run.4.cloned.1.call-start
scs
__scs_entry_jumppad:
0x0: {  	(pc) =	sbr.rel $0x88, $3  }
0x1: {  	(tag) =	ssettag $0x0;
	lr =	simm.s32 $0x1  }
0x2: {  	[smem:$0x3F9B] =	sst lr;
	_ =	strace $0xD0000000  }
0x3: {  	_ = 	snop  }
0x4: {  	_ = 	snop  }
0x5: {  	_ = 	snop  }
0x6: {  	_ = 	snop  }
0x7: {  	_ = 	snop  }
__scs_overlays_trampoline_lowered:
0x8: {  	[smem:$0x3FAA] =	sst s0  }
0x9: {  	[smem:$0x3FAB] =	sst s1  }
0xa: {  	[smem:$0x3FAC] =	sst s2  }
0xb: {  	[smem:$0x3FAD] =	sst s3  }
0xc: {  	[smem:$0x3FAE] =	sst s4  }
0xd: {  	[smem:$0x3FAF] =	sst s5  }
0xe: {  	[smem:$0x3FB0] =	sst s6  }
0xf: {  	[smem:$0x3FB1] =	sst s7  }
0x10: {  	[smem:$0x3FB2] =	sst s8  }
0x11: {  	[smem:$0x3FB3] =	sst s9;
	s0 =	simm.s32 @!p0 $0x0  }
0x12: {  	s1 =	sld [smem:$0x3F99];
	s0 =	simm.s32 @p0 $0x1  }
0x13: {  	[smem:$0x3FB4] =	sst s0;
	s0 =	simm.s32 @!p1 $0x0  }
0x14: {  	s2 =	sld [smem:$0x3F98];
	s0 =	simm.s32 @p1 $0x1  }
0x15: {  	[smem:$0x3FB5] =	sst s0;
	s0 =	simm.s32 @!p2 $0x0  }
0x16: {  	s3 =	sld [smem:$0x3FDB];
	s0 =	simm.s32 @p2 $0x1  }
0x17: {  	s4 =	simm.s32 $0x1BF5;
	[smem:$0x3FB7] =	sst s0  }
0x18: {  	s0 =	sld [smem:$0x3F9A];
	_ =	swait.ge [sflag:s4], $0x0  }
0x19: {  	s7 =	sld [smem:$0x3F9B]  }
0x1a: {  	s8 =	sadd.s32 $0xFFFFE003, lr  }
0x1b: {  	s9 =	sadd.s32 $0xFFFFFEF7, lr;
	s5 =	simm.s32 $0xFFFFFFFF;
	p2 =	slt.u32 s8, $0xFFFFF086  }
0x1c: {  	p1 =	slt.u32 s9, $0xF7A;
	s5 =	simm.s32 @!p2 $0x0  }
0x1d: {  	s5 =	simm.s32 @p1 $0x1;
	p0 =	seq.s32 s7, s2  }
0x1e: {  	s7 =	smul.u32 @!p0 $0xF7A, s2;
	p2 =	seq.s32 @!p0 s5, $0x0  }
0x1f: {  	s9 =	smul.u32 $0xF7A, s1;
	s8 =	simm.s32 @!p0 $0x1BF5;
	p2 =	por !p2, p0  }
0x20: {  	[sflag:s8] =	ssyncset.s32 @!p0 $0xFFFFF086;
	s6 =	sadd.s32 @!p0 s3, s7;
	s7 =	simm.s32 @!p0 $0x108  }
0x21: {  	s3 =	sadd.s32 s3, s9;
	s6 =	sadd.s32 @!p0 $0x88, s6;
	s7 =	simm.s32 @p2 $0x1082  }
0x22: {  	[simem:s7], [sflag:s8] =	dma.local @!p0 [hbm:s6], $0xF7A  }
0x23: {  	s9 =	sor.u32 $0xD0000000, s2;
	s6 =	simm.s32 $0x108;
	_ =	swait.ge @!p0 [sflag:s8], $0x0  }
0x24: {  	s3 =	sadd.s32 $0x88, s3;
	s6 =	simm.s32 @!p1 $0x1082;
	[sflag:s4] =	ssyncset.s32 $0xFFFFF086  }
0x25: {  	[simem:s6], [sflag:s4] =	dma.local [hbm:s3], $0xF7A  }
0x26: {  	[smem:$0x3F9B] =	sst s1;
	(tag) =	ssettag s2;
	_ =	strace s9  }
0x27: {  	s1 =	sld [smem:$0x3FAB]  }
0x28: {  	s2 =	sld [smem:$0x3FAC]  }
0x29: {  	s4 =	sld [smem:$0x3FAE]  }
0x2a: {  	p0 =	seq.s32 s5, $0x0;
	s5 =	sld [smem:$0x3FAF]  }
0x2b: {  	s6 =	sld [smem:$0x3FB0]  }
0x2c: {  	s7 =	sld [smem:$0x3FB1]  }
0x2d: {  	s3 =	simm.s32 $0x108;
	s8 =	sld [smem:$0x3FB2]  }
0x2e: {  	s3 =	simm.s32 @!p0 $0x1082;
	s9 =	sld [smem:$0x3FB3]  }
0x2f: {  	lr =	sadd.s32 s0, s3;
	s0 =	sld [smem:$0x3FAA]  }
0x30: {  	s3 =	sld [smem:$0x3FAD]  }
0x31: {  	[smem:$0x3FB6] =	sst s10  }
0x32: {  	s10 =	sld [smem:$0x3FB4];
	_ =	sdelay $0x3  }
0x33: {  	p0 =	seq.s32 s10, $0x1;
	s10 =	sld [smem:$0x3FB6];
	_ =	sdelay $0x3  }
0x34: {  	[smem:$0x3FB6] =	sst s10  }
0x35: {  	s10 =	sld [smem:$0x3FB5];
	_ =	sdelay $0x3  }
0x36: {  	p1 =	seq.s32 s10, $0x1;
	s10 =	sld [smem:$0x3FB6];
	_ =	sdelay $0x3  }
0x37: {  	[smem:$0x3FB6] =	sst s10  }
0x38: {  	s10 =	sld [smem:$0x3FB7]  }
0x39: {  	_ = 	snop;
	(pc) =	sbr.ind lr, $3  }
0x3a: {  	_ = 	snop  }
0x3b: {  	_ = 	snop  }
0x3c: {  	p2 =	seq.s32 s10, $0x1;
	s10 =	sld [smem:$0x3FB6]  }
0x3d: {  	_ =	shalt  }
0x3e: {  	_ =	shalt  }
0x3f: {  	_ =	shalt  }
0x40: {  	_ =	shalt  }
0x41: {  	_ =	shalt  }
0x42: {  	_ =	shalt  }
0x43: {  	_ =	shalt  }
0x44: {  	_ =	shalt  }
0x45: {  	_ =	shalt  }
0x46: {  	_ =	shalt  }
0x47: {  	_ =	shalt  }
0x48: {  	_ =	shalt  }
0x49: {  	_ =	shalt  }
0x4a: {  	_ =	shalt  }
0x4b: {  	_ =	shalt  }
0x4c: {  	_ =	shalt  }
0x4d: {  	_ =	shalt  }
0x4e: {  	_ =	shalt  }
0x4f: {  	_ =	shalt  }
0x50: {  	_ =	shalt  }
0x51: {  	_ =	shalt  }
0x52: {  	_ =	shalt  }
0x53: {  	_ =	shalt  }
0x54: {  	_ =	shalt  }
0x55: {  	_ =	shalt  }
0x56: {  	_ =	shalt  }
0x57: {  	_ =	shalt  }
0x58: {  	_ =	shalt  }
0x59: {  	_ =	shalt  }
0x5a: {  	_ =	shalt  }
0x5b: {  	_ =	shalt  }
0x5c: {  	_ =	shalt  }
0x5d: {  	_ =	shalt  }
0x5e: {  	_ =	shalt  }
0x5f: {  	_ =	shalt  }
0x60: {  	_ =	shalt  }
0x61: {  	_ =	shalt  }
0x62: {  	_ =	shalt  }
0x63: {  	_ =	shalt  }
0x64: {  	_ =	shalt  }
0x65: {  	_ =	shalt  }
0x66: {  	_ =	shalt  }
0x67: {  	_ =	shalt  }
0x68: {  	_ =	shalt  }
0x69: {  	_ =	shalt  }
0x6a: {  	_ =	shalt  }
0x6b: {  	_ =	shalt  }
0x6c: {  	_ =	shalt  }
0x6d: {  	_ =	shalt  }
0x6e: {  	_ =	shalt  }
0x6f: {  	_ =	shalt  }
0x70: {  	_ =	shalt  }
0x71: {  	_ =	shalt  }
0x72: {  	_ =	shalt  }
0x73: {  	_ =	shalt  }
0x74: {  	_ =	shalt  }
0x75: {  	_ =	shalt  }
0x76: {  	_ =	shalt  }
0x77: {  	_ =	shalt  }
0x78: {  	_ =	shalt  }
0x79: {  	_ =	shalt  }
0x7a: {  	_ =	shalt  }
0x7b: {  	_ =	shalt  }
0x7c: {  	_ =	shalt  }
0x7d: {  	_ =	shalt  }
0x7e: {  	_ =	shalt  }
0x7f: {  	_ =	shalt  }
0x80: {  	_ =	shalt  }
0x81: {  	_ =	shalt  }
0x82: {  	_ =	shalt  }
0x83: {  	_ =	shalt  }
0x84: {  	_ =	shalt  }
0x85: {  	_ =	shalt  }
0x86: {  	_ =	shalt  }
0x87: {  	_ =	shalt  }
.Lfunc_end0:
.L_simem_size_0:
called_computation_lowered:
.L_overlay_start_0:
0x88: {  	s2 =	sld [smem:$0x3FD9]  }
0x89: {  	s3 =	sld [smem:$0x3FFE];
	_ =	sdelay $0x1  }
0x8a: {  	s1 =	srdreg.scid  }
0x8b: {  	s0 =	sand.u32 $0x1, s1  }
0x8c: {  	s17 =	sshll.u32 s0, $0xA;
	s2 =	sadd.s32 s3, s2  }
0x8d: {  	s2 =	sadd.s32 s2, s17  }
0x8e: {  	[smem:$0x3FC2] =	sst s2  }
0x8f: {  	_ = 	snop  }
0x90: {  	s2 =	sld [smem:$0x3FC6];
	(tm) =	ssettm $0x1  }
0x91: {  	s18 =	sld [smem:$0x3FFB];
	_ =	sdelay $0x3  }
0x92: {  	_ =	strace s18  }
0x93: {  	s3 =	sld [smem:$0x3FFC];
	_ =	sdelay $0x3  }
0x94: {  	_ =	strace s3  }
0x95: {  	s3 =	sld [smem:$0x3FFD];
	_ =	sdelay $0x3  }
0x96: {  	_ =	strace s3  }
0x97: {  	_ =	strace $0x8FFFFFFF  }
0x98: {  	s19 =	sld [smem:$0x3FDB];
	_ =	sdelay $0x1  }
0x99: {  	s4 =	simm.s32 $_scs_section_size  }
0x9a: {  	s5 =	simm.s32 $_size__tile_overlayer_lowered;
	s6 =	simm.s32 $_tile_overlayer_lowered  }
0x9b: {  	s22 =	simm.s32 $0x1BFF;
	s21 =	sshll.u32 s6, $0x1;
	s3 =	sadd.s32 s4, s19  }
0x9c: {  	s7 =	simm.s32 $0x0;
	s20 =	sshll.u32 s5, $0x1;
	s5 =	sadd.s32 s21, s3  }
0x9d: {  	[timem:s7], [sflag:s22] =	dma.local [hbm:s5], s20  }
0x9e: {  	_ =	swait.ge [sflag:s22], s20  }
0x9f: {  	s4 =	ssub.s32 $0x0, s20;
	[sflag:s22] =	ssyncset.done $0x0  }
0xa0: {  	[sflag:s22] =	ssyncadd.s32 s4;
	_ =	sdelay $0x1  }
0xa1: {  	s23 =	simm.s32 $0x1B8B  }
0xa2: {  	_ =	swait.ge [sflag:s23], $0x1  }
0xa3: {  	[sflag:s23] =	ssyncset.done $0x0  }
0xa4: {  	s25 =	simm.s32 $0x1B8E;
	s24 =	sld [smem:$0x3FFE];
	[sflag:s23] =	ssyncadd.s32 $0xFFFFFFFF  }
0xa5: {  	s26 =	simm.s32 $execute0_lowered;
	[smem:$0x3FD2] =	sst s25  }
0xa6: {  	s5 =	sshll.u32 s26, $0x1;
	_ =	strace $0x80000046;
	[dreg:$0x1] =	wrdreg $0xFFFFFFFF  }
0xa7: {  	s28 =	simm.s32 $_size_execute0_lowered;
	s3 =	sadd.s32 s3, s5;
	[dreg:$0x0] =	wrdreg $0x0  }
0xa8: {  	s5 =	sshll.u32 s28, $0x1;
	[dreg:$0x2] =	wrdreg s3  }
0xa9: {  	[dreg:$0x3] =	wrdreg s5  }
0xaa: {  	[dreg:$0x4] =	wrdreg $0xC0  }
0xab: {  	_ =	task [dreg:s7], $0x5FFFF  }
0xac: {  	[dreg:$0x1] =	wrdreg $0xFFFFFFFF  }
0xad: {  	[dreg:$0x0] =	wrdreg $0x60  }
0xae: {  	[dreg:$0x2] =	wrdreg s24  }
0xaf: {  	[dreg:$0x3] =	wrdreg s2  }
0xb0: {  	[dreg:$0x4] =	wrdreg $0x9  }
0xb1: {  	_ =	task.clear_ibuf [dreg:s7], $0x5FFFF;
	_ =	strace $0x90000046  }
0xb2: {  	s29 =	simm.s32 $0x9;
	_ =	strace $0x80000048  }
0xb3: {  	_ =	swait.ge [sflag:s29], $0x1  }
0xb4: {  	[sflag:s29] =	ssyncadd.s32 $0xFFFFFFFF  }
0xb5: {  	_ =	strace $0x90000048  }
0xb6: {  	_ =	sfence  }
0xb7: {  	s30 =	sld [smem:$0x0];
	_ =	sdelay $0x2  }
0xb8: {  	s31 =	sshll.u32 s1, $0xD;
	s1 =	sshrl.u32 s1, $0x2  }
0xb9: {  	s3 =	sand.u32 $0x4000, s31;
	s1 =	sadd.s32 s1, s30  }
0xba: {  	s0 =	sor.u32 s3, s0;
	s1 =	sshll.u32 s1, $0x11  }
0xbb: {  	s0 =	sor.u32 s1, s0  }
0xbc: {  	s0 =	sadd.s32 $0x8F2B, s0  }
0xbd: {  	[sflag:s0] =	ssyncadd.remote.s32 $0x1  }
0xbe: {  	_ =	sfence.sel $0xFFFF  }
0xbf: {  	[dreg:$0x0] =	wrdreg $0xFFFFFFFF;
	(pc) =	sbr.abs _section_cstart, $3  }
0xc0: {  	[dreg:$0x1] =	wrdreg $0xFFFFFFFF  }
0xc1: {  	_ =	task.clear_ibuf [dreg:s7], $0x2FFFF;
	_ =	strace $0x9FFFFFFF  }
0xc2: {  	(tm) =	ssettm $0x7FFFFFFF  }
0xc3: {  	_ =	shalt  }
tec
execute0_lowered:
.L_overlay_start_1:
0x0: {  	(tag) =	ssettag $0x1  }
0x1: {  	s1 =	srdreg.scid  }
0x2: {  	s0 =	stileid.u32;
	s2 =	rddreg [dreg:$0x0]  }
0x3: {  	s3 =	rddreg [dreg:$0x1];
	s5 =	simm.s32 $0x0;
	s12 =	simm.s32 $0x19700  }
0x4: {  	s13 =	simm.s32 $0x1;
	s14 =	simm.s32 $0x2;
	s15 =	simm.s32 $0x3  }
0x5: {  	s6 =	sand.u32 $0x1, s1;
	s30 =	sshll.u32 s0, $0x1;
	s1 =	rddreg [dreg:$0x2]  }
0x6: {  	s16 =	simm.s32 $0x0;
	[smem:$0x7FF] =	sst s5;
	s4 =	sor.u32 s6, s30  }
.Ltmp0:
0x7: {  	_ =	strace $0x80000047;
	s6 =	ssub.s32 $0x2, s6;
	(pc) =	sbr.rel .LBB2_1-.Ltmp0, $4  }
0x8: {  	s7 =	smul.u32 $0x30D4, s4;
	s31 =	sshrl.u32 s6, $0x1;
	s8 =	sshll.u32 s4, $0x8  }
0x9: {  	s10 =	sshll.u32 s4, $0x9;
	s11 =	ssub.s32 s6, s31;
	s6 =	sadd.s32 s2, s8  }
0xa: {  	s8 =	sor.u32 $0x40, s4;
	s9 =	sadd.s32 s7, s2;
	s7 =	sadd.s32 s3, s10  }
0xb: {  	v0 =	vimm.f32 $0.0e+00;
	s10 =	smax.u32 s11, $0x1;
	s11 =	simm.s32 $0x18700;
	s9 =	sadd.s32 $0xC3600, s9  }
.LBB2_11:
0xc: {  	s16 =	sadd.s32 $0x1, s16  }
0xd: {  	p0 =	sne.s32 s16, s10  }
.Ltmp1:
0xe: {  	_ = 	snop;
	(pc) =	sbr.rel @!p0 .LBB2_12-.Ltmp1, $4  }
0xf: {  	[hbm4b:s9+s5] =	stream.linear.scatter [tilespmem:s5], [sflag:$0x3], $0x186A0, $0x38;
	[tilespmem:$0x1B700] =	vst v63  }
0x10: {  	_ =	swait.ge [sflag:s15], $0x186A0  }
0x11: {  	[sflag:s15] =	ssyncset.done $0x0  }
0x12: {  	[sflag:s15] =	ssyncadd.s32 $0xFFFE7960  }
.LBB2_1:
0x13: {  	s17 =	simm.s32 $0x40;
	s18 =	simm.s32 $0x0  }
.LBB2_2:
0x14: {  	p0 =	sne.s32 s17, $0x61A40;
	[tilespmem:s18+$0x0] =	vst v0;
	s18 =	smov.u32 s17;
	s17 =	sadd.s32 $0x40, s17  }
.Ltmp2:
0x15: {  	(pc) =	sbr.rel @p0 .LBB2_2-.Ltmp2, $2  }
0x16: {  	_ =	sdelay $0x2  }
0x17: {  	s18 =	sshra.s32 s18, $0x2  }
.Ltmp3:
0x18: {  	(pc) =	sbr.rel .LBB2_4-.Ltmp3, $4  }
0x19: {  	[tilespmem:s18+$0x0] =	vst v0;
	s17 =	simm.s32 $0x0  }
0x1a: {  	[tilespmem:s11], [sflag:$0x1] =	stream.linear.gather [hbm4b:s6+s17], $0x800, $0x38;
	[tilespmem:$0x1B700] =	vst v63  }
0x1b: {  	_ = 	snop  }
0x1c: {  	[tilespmem:s12], [sflag:$0x1] =	stream.linear.gather [hbm4b:s7+s17], $0x1000, $0x38;
	[tilespmem:$0x1B700] =	vst v63  }
.LBB2_10:
0x1d: {  	s17 =	sadd.s32 $0x1, s17  }
0x1e: {  	p0 =	sne.s32 s17, $0x31  }
.Ltmp4:
0x1f: {  	_ = 	snop;
	(pc) =	sbr.rel @!p0 .LBB2_11-.Ltmp4, $1  }
0x20: {  	_ =	sdelay $0x3  }
.LBB2_4:
0x21: {  	s18 =	sshll.u32 s17, $0x6  }
0x22: {  	s19 =	sor.u32 s4, s18  }
0x23: {  	p0 =	sgt.u32 s19, $0xC14  }
0x24: {  	s20 =	sor.u32 @!p0 $0x20, s19  }
0x25: {  	s22 =	simm.s32 @!p0 $0x0;
	s21 =	sshll.u32 @!p0 s20, $0x8  }
0x26: {  	s23 =	simm.s32 @!p0 $0x18F00;
	s20 =	sshll.u32 @!p0 s20, $0x9;
	s21 =	sadd.s32 @!p0 s2, s21  }
0x27: {  	[tilespmem:s23], [sflag:$0x2] =	stream.linear.gather @!p0 [hbm4b:s21+s22], $0x800, $0x38;
	[tilespmem:$0x1B700] =	vst v63  }
0x28: {  	s20 =	sadd.s32 @!p0 s3, s20;
	s21 =	simm.s32 @!p0 $0x1A700  }
0x29: {  	[tilespmem:s21], [sflag:$0x2] =	stream.linear.gather @!p0 [hbm4b:s20+s22], $0x1000, $0x38;
	[tilespmem:$0x1B700] =	vst v63  }
0x2a: {  	_ =	swait.ge [sflag:s13], $0x800  }
0x2b: {  	[sflag:s13] =	ssyncset.done $0x0  }
0x2c: {  	[sflag:s13] =	ssyncadd.s32 $0xFFFFF800  }
0x2d: {  	_ =	swait.ge [sflag:s13], $0x1000  }
0x2e: {  	[sflag:s13] =	ssyncset.done $0x0  }
0x2f: {  	s20 =	simm.s32 $0x19780;
	[sflag:s13] =	ssyncadd.s32 $0xFFFFF000  }
0x30: {  	v1 =	vld [tilespmem:s20+$0xFFFFFF90]  }
0x31: {  	s21 =	simm.s32 $0x18740;
	v2 =	vld [tilespmem:s20+$0xFFFFFF80]  }
0x32: {  	v4 =	vld [tilespmem:s21+$0xFFFFFFC0]  }
0x33: {  	v5 =	vld [tilespmem:s20+$0xFFFFFFC0]  }
0x34: {  	v3 =	vld [tilespmem:s20+$0x60]  }
0x35: {  	v6 =	vld [tilespmem:s20+$0xFFFFFFF0]  }
0x36: {  	v7 =	vld [tilespmem:s20+$0x70]  }
0x37: {  	v8 =	vld [tilespmem:s21+$0x30]  }
0x38: {  	v9 =	vld [tilespmem:s20+$0xFFFFFFB0]  }
0x39: {  	v10 =	vld [tilespmem:s20+$0xFFFFFFA0]  }
0x3a: {  	v11 =	vld [tilespmem:s21+$0xFFFFFFD0]  }
0x3b: {  	v12 =	vld [tilespmem:s20+$0x10]  }
0x3c: {  	v13 =	vld [tilespmem:s20+$0x20]  }
0x3d: {  	v14 =	vld [tilespmem:s20+$0xFFFFFFD0];
	v8 =	vmul.f32 $4.500000000e+01, v8  }
0x3e: {  	v16 =	vld [tilespmem:s20+$0x40]  }
0x3f: {  	[tilespmem:v7+s5+$0x0] =	vst.idx.add.f32.msk $0xffff, v8;
	v7 =	vsub.f32 $0.0e+00, v8  }
0x40: {  	v17 =	vld [tilespmem:s21+$0x0]  }
0x41: {  	[tilespmem:v6+s5+$0x0] =	vst.idx.add.f32.msk $0xffff, v7  }
0x42: {  	v6 =	vld [tilespmem:s21+$0x20]  }
0x43: {  	v8 =	vld [tilespmem:s20+$0xFFFFFFE0]  }
0x44: {  	v7 =	vld [tilespmem:s20+$0x50]  }
0x45: {  	v15 =	vld [tilespmem:s21+$0x10]  }
0x46: {  	v18 =	vld [tilespmem:s20+$0x30]  }
0x47: {  	v19 =	vld [tilespmem:s21+$0xFFFFFFF0];
	v6 =	vmul.f32 $4.500000000e+01, v6  }
0x48: {  	v63 =	vld [tilespmem:s21+$0xFFFFFFE0];
	v17 =	vmul.f32 $4.500000000e+01, v17  }
0x49: {  	[tilespmem:v3+s5+$0x0] =	vst.idx.add.f32.msk $0xffff, v6;
	v3 =	vsub.f32 $0.0e+00, v6  }
0x4a: {  	[tilespmem:v16+s5+$0x0] =	vst.idx.add.f32.msk $0xffff, v17;
	v6 =	vmul.f32 $4.500000000e+01, v15  }
0x4b: {  	[tilespmem:v8+s5+$0x0] =	vst.idx.add.f32.msk $0xffff, v3  }
0x4c: {  	[tilespmem:v7+s5+$0x0] =	vst.idx.add.f32.msk $0xffff, v6;
	v7 =	vsub.f32 $0.0e+00, v17  }
0x4d: {  	v3 =	vld [tilespmem:s20+$0x0];
	v6 =	vsub.f32 $0.0e+00, v6  }
0x4e: {  	v8 =	vmul.f32 $4.500000000e+01, v63;
	[tilespmem:v5+s5+$0x0] =	vst.idx.add.f32.msk $0xffff, v7  }
0x4f: {  	v5 =	vmul.f32 $4.500000000e+01, v19;
	[tilespmem:v14+s5+$0x0] =	vst.idx.add.f32.msk $0xffff, v6  }
0x50: {  	v6 =	vmul.f32 $4.500000000e+01, v11;
	[tilespmem:v13+s5+$0x0] =	vst.idx.add.f32.msk $0xffff, v8  }
0x51: {  	v7 =	vsub.f32 $0.0e+00, v8;
	[tilespmem:v18+s5+$0x0] =	vst.idx.add.f32.msk $0xffff, v5  }
0x52: {  	v8 =	vsub.f32 $0.0e+00, v5;
	v5 =	vmul.f32 $4.500000000e+01, v4;
	[tilespmem:v12+s5+$0x0] =	vst.idx.add.f32.msk $0xffff, v6  }
0x53: {  	[tilespmem:v10+s5+$0x0] =	vst.idx.add.f32.msk $0xffff, v7  }
0x54: {  	s22 =	simm.s32 $0x0;
	v4 =	vsub.f32 $0.0e+00, v6;
	v6 =	vsub.f32 $0.0e+00, v5;
	[tilespmem:v9+s5+$0x0] =	vst.idx.add.f32.msk $0xffff, v8  }
.LBB2_5:
0x55: {  	s22 =	sadd.s32 $0x8, s22;
	[tilespmem:v3+s5+$0x0] =	vst.idx.add.f32.msk $0xffff, v5;
	s21 =	sadd.s32 $0x80, s21;
	s20 =	sadd.s32 $0x100, s20  }
0x56: {  	p0 =	slt.u32 s22, $0x78;
	[tilespmem:v2+s5+$0x0] =	vst.idx.add.f32.msk $0xffff, v6  }
0x57: {  	[tilespmem:v1+s5+$0x0] =	vst.idx.add.f32.msk $0xffff, v4  }
0x58: {  	v1 =	vld [tilespmem:s20+$0xFFFFFF90]  }
0x59: {  	v2 =	vld [tilespmem:s20+$0xFFFFFF80]  }
0x5a: {  	v4 =	vld [tilespmem:s21+$0xFFFFFFC0]  }
0x5b: {  	v5 =	vld [tilespmem:s20+$0xFFFFFFC0]  }
0x5c: {  	v3 =	vld [tilespmem:s20+$0x60]  }
0x5d: {  	v6 =	vld [tilespmem:s20+$0xFFFFFFF0]  }
0x5e: {  	v7 =	vld [tilespmem:s20+$0x70]  }
0x5f: {  	v8 =	vld [tilespmem:s21+$0x30]  }
0x60: {  	v9 =	vld [tilespmem:s20+$0xFFFFFFB0]  }
0x61: {  	v10 =	vld [tilespmem:s20+$0xFFFFFFA0]  }
0x62: {  	v11 =	vld [tilespmem:s21+$0xFFFFFFD0]  }
0x63: {  	v12 =	vld [tilespmem:s20+$0x10]  }
0x64: {  	v13 =	vld [tilespmem:s20+$0x20];
	v8 =	vmul.f32 $4.500000000e+01, v8  }
0x65: {  	v14 =	vld [tilespmem:s20+$0xFFFFFFD0]  }
0x66: {  	[tilespmem:v7+s5+$0x0] =	vst.idx.add.f32.msk $0xffff, v8;
	v7 =	vsub.f32 $0.0e+00, v8  }
0x67: {  	v8 =	vld [tilespmem:s20+$0xFFFFFFE0]  }
0x68: {  	[tilespmem:v6+s5+$0x0] =	vst.idx.add.f32.msk $0xffff, v7  }
0x69: {  	v6 =	vld [tilespmem:s21+$0x20]  }
0x6a: {  	v7 =	vld [tilespmem:s20+$0x50]  }
0x6b: {  	v15 =	vld [tilespmem:s21+$0x10]  }
0x6c: {  	v16 =	vld [tilespmem:s20+$0x40]  }
0x6d: {  	v17 =	vld [tilespmem:s21+$0x0]  }
0x6e: {  	v18 =	vld [tilespmem:s20+$0x30];
	v6 =	vmul.f32 $4.500000000e+01, v6  }
0x6f: {  	v19 =	vld [tilespmem:s21+$0xFFFFFFF0]  }
0x70: {  	v15 =	vmul.f32 $4.500000000e+01, v15;
	[tilespmem:v3+s5+$0x0] =	vst.idx.add.f32.msk $0xffff, v6;
	v3 =	vsub.f32 $0.0e+00, v6  }
0x71: {  	v6 =	vld [tilespmem:s21+$0xFFFFFFE0]  }
0x72: {  	v17 =	vmul.f32 $4.500000000e+01, v17;
	[tilespmem:v8+s5+$0x0] =	vst.idx.add.f32.msk $0xffff, v3  }
0x73: {  	[tilespmem:v7+s5+$0x0] =	vst.idx.add.f32.msk $0xffff, v15  }
0x74: {  	v3 =	vld [tilespmem:s20+$0x0];
	v7 =	vmul.f32 $4.500000000e+01, v19;
	v8 =	vsub.f32 $0.0e+00, v17  }
0x75: {  	v15 =	vsub.f32 $0.0e+00, v15;
	[tilespmem:v16+s5+$0x0] =	vst.idx.add.f32.msk $0xffff, v17  }
0x76: {  	v6 =	vmul.f32 $4.500000000e+01, v6;
	v16 =	vsub.f32 $0.0e+00, v7;
	[tilespmem:v5+s5+$0x0] =	vst.idx.add.f32.msk $0xffff, v8  }
0x77: {  	[tilespmem:v14+s5+$0x0] =	vst.idx.add.f32.msk $0xffff, v15  }
.Ltmp5:
0x78: {  	v8 =	vmul.f32 $4.500000000e+01, v11;
	[tilespmem:v13+s5+$0x0] =	vst.idx.add.f32.msk $0xffff, v6;
	v6 =	vsub.f32 $0.0e+00, v6;
	(pc) =	sbr.rel @p0 .LBB2_5-.Ltmp5, $4  }
0x79: {  	[tilespmem:v18+s5+$0x0] =	vst.idx.add.f32.msk $0xffff, v7  }
0x7a: {  	v5 =	vmul.f32 $4.500000000e+01, v4;
	v4 =	vsub.f32 $0.0e+00, v8;
	[tilespmem:v12+s5+$0x0] =	vst.idx.add.f32.msk $0xffff, v8  }
0x7b: {  	[tilespmem:v10+s5+$0x0] =	vst.idx.add.f32.msk $0xffff, v6  }
0x7c: {  	v6 =	vsub.f32 $0.0e+00, v5;
	[tilespmem:v9+s5+$0x0] =	vst.idx.add.f32.msk $0xffff, v16  }
0x7d: {  	s19 =	sor.u32 $0x20, s19  }
0x7e: {  	p0 =	sgt.u32 s19, $0xC34  }
.Ltmp6:
0x7f: {  	_ = 	snop;
	(pc) =	sbr.rel @p0 .LBB2_10-.Ltmp6, $4  }
0x80: {  	_ = 	snop  }
0x81: {  	[tilespmem:v3+s5+$0x0] =	vst.idx.add.f32.msk $0xffff, v5  }
0x82: {  	[tilespmem:v1+s5+$0x0] =	vst.idx.add.f32.msk $0xffff, v4  }
0x83: {  	[tilespmem:v2+s5+$0x0] =	vst.idx.add.f32.msk $0xffff, v6  }
0x84: {  	p0 =	sgt.u32 s19, $0xC14  }
0x85: {  	s18 =	sadd.s32 @!p0 s8, s18  }
0x86: {  	s20 =	simm.s32 @!p0 $0x0;
	s19 =	sshll.u32 @!p0 s18, $0x8  }
0x87: {  	s21 =	simm.s32 @!p0 $0x18700;
	s18 =	sshll.u32 @!p0 s18, $0x9;
	s19 =	sadd.s32 @!p0 s2, s19  }
0x88: {  	[tilespmem:s21], [sflag:$0x1] =	stream.linear.gather @!p0 [hbm4b:s19+s20], $0x800, $0x38;
	[tilespmem:$0x1B700] =	vst v63  }
0x89: {  	s18 =	sadd.s32 @!p0 s3, s18;
	s19 =	simm.s32 @!p0 $0x19700  }
0x8a: {  	[tilespmem:s19], [sflag:$0x1] =	stream.linear.gather @!p0 [hbm4b:s18+s20], $0x1000, $0x38;
	[tilespmem:$0x1B700] =	vst v63  }
0x8b: {  	_ =	swait.ge [sflag:s14], $0x800  }
0x8c: {  	[sflag:s14] =	ssyncset.done $0x0  }
0x8d: {  	[sflag:s14] =	ssyncadd.s32 $0xFFFFF800  }
0x8e: {  	_ =	swait.ge [sflag:s14], $0x1000  }
0x8f: {  	[sflag:s14] =	ssyncset.done $0x0  }
0x90: {  	s18 =	simm.s32 $0x1A780;
	[sflag:s14] =	ssyncadd.s32 $0xFFFFF000  }
0x91: {  	v1 =	vld [tilespmem:s18+$0xFFFFFF90]  }
0x92: {  	s19 =	simm.s32 $0x18F40;
	v2 =	vld [tilespmem:s18+$0xFFFFFF80]  }
0x93: {  	v4 =	vld [tilespmem:s19+$0xFFFFFFC0]  }
0x94: {  	v5 =	vld [tilespmem:s18+$0xFFFFFFC0]  }
0x95: {  	v3 =	vld [tilespmem:s18+$0x60]  }
0x96: {  	v6 =	vld [tilespmem:s18+$0xFFFFFFF0]  }
0x97: {  	v7 =	vld [tilespmem:s18+$0x70]  }
0x98: {  	v8 =	vld [tilespmem:s19+$0x30]  }
0x99: {  	v9 =	vld [tilespmem:s18+$0xFFFFFFB0]  }
0x9a: {  	v10 =	vld [tilespmem:s18+$0xFFFFFFA0]  }
0x9b: {  	v11 =	vld [tilespmem:s19+$0xFFFFFFD0]  }
0x9c: {  	v12 =	vld [tilespmem:s18+$0x10]  }
0x9d: {  	v13 =	vld [tilespmem:s18+$0x20]  }
0x9e: {  	v14 =	vld [tilespmem:s18+$0xFFFFFFD0];
	v8 =	vmul.f32 $4.500000000e+01, v8  }
0x9f: {  	v16 =	vld [tilespmem:s18+$0x40]  }
0xa0: {  	[tilespmem:v7+s5+$0x0] =	vst.idx.add.f32.msk $0xffff, v8;
	v7 =	vsub.f32 $0.0e+00, v8  }
0xa1: {  	v17 =	vld [tilespmem:s19+$0x0]  }
0xa2: {  	[tilespmem:v6+s5+$0x0] =	vst.idx.add.f32.msk $0xffff, v7  }
0xa3: {  	v6 =	vld [tilespmem:s19+$0x20]  }
0xa4: {  	v8 =	vld [tilespmem:s18+$0xFFFFFFE0]  }
0xa5: {  	v7 =	vld [tilespmem:s18+$0x50]  }
0xa6: {  	v15 =	vld [tilespmem:s19+$0x10]  }
0xa7: {  	v18 =	vld [tilespmem:s18+$0x30]  }
0xa8: {  	v19 =	vld [tilespmem:s19+$0xFFFFFFF0];
	v6 =	vmul.f32 $4.500000000e+01, v6  }
0xa9: {  	v63 =	vld [tilespmem:s19+$0xFFFFFFE0];
	v17 =	vmul.f32 $4.500000000e+01, v17  }
0xaa: {  	[tilespmem:v3+s5+$0x0] =	vst.idx.add.f32.msk $0xffff, v6;
	v3 =	vsub.f32 $0.0e+00, v6  }
0xab: {  	[tilespmem:v16+s5+$0x0] =	vst.idx.add.f32.msk $0xffff, v17;
	v6 =	vmul.f32 $4.500000000e+01, v15  }
0xac: {  	[tilespmem:v8+s5+$0x0] =	vst.idx.add.f32.msk $0xffff, v3  }
0xad: {  	[tilespmem:v7+s5+$0x0] =	vst.idx.add.f32.msk $0xffff, v6;
	v7 =	vsub.f32 $0.0e+00, v17  }
0xae: {  	v3 =	vld [tilespmem:s18+$0x0];
	v6 =	vsub.f32 $0.0e+00, v6  }
0xaf: {  	v8 =	vmul.f32 $4.500000000e+01, v63;
	[tilespmem:v5+s5+$0x0] =	vst.idx.add.f32.msk $0xffff, v7  }
0xb0: {  	v5 =	vmul.f32 $4.500000000e+01, v19;
	[tilespmem:v14+s5+$0x0] =	vst.idx.add.f32.msk $0xffff, v6  }
0xb1: {  	v6 =	vmul.f32 $4.500000000e+01, v11;
	[tilespmem:v13+s5+$0x0] =	vst.idx.add.f32.msk $0xffff, v8  }
0xb2: {  	v7 =	vsub.f32 $0.0e+00, v8;
	[tilespmem:v18+s5+$0x0] =	vst.idx.add.f32.msk $0xffff, v5  }
0xb3: {  	v8 =	vsub.f32 $0.0e+00, v5;
	v5 =	vmul.f32 $4.500000000e+01, v4;
	[tilespmem:v12+s5+$0x0] =	vst.idx.add.f32.msk $0xffff, v6  }
0xb4: {  	[tilespmem:v10+s5+$0x0] =	vst.idx.add.f32.msk $0xffff, v7  }
0xb5: {  	s20 =	simm.s32 $0x0;
	v4 =	vsub.f32 $0.0e+00, v6;
	v6 =	vsub.f32 $0.0e+00, v5;
	[tilespmem:v9+s5+$0x0] =	vst.idx.add.f32.msk $0xffff, v8  }
.LBB2_8:
0xb6: {  	s20 =	sadd.s32 $0x8, s20;
	[tilespmem:v3+s5+$0x0] =	vst.idx.add.f32.msk $0xffff, v5;
	s19 =	sadd.s32 $0x80, s19;
	s18 =	sadd.s32 $0x100, s18  }
0xb7: {  	p0 =	slt.u32 s20, $0x78;
	[tilespmem:v2+s5+$0x0] =	vst.idx.add.f32.msk $0xffff, v6  }
0xb8: {  	[tilespmem:v1+s5+$0x0] =	vst.idx.add.f32.msk $0xffff, v4  }
0xb9: {  	v1 =	vld [tilespmem:s18+$0xFFFFFF90]  }
0xba: {  	v2 =	vld [tilespmem:s18+$0xFFFFFF80]  }
0xbb: {  	v4 =	vld [tilespmem:s19+$0xFFFFFFC0]  }
0xbc: {  	v5 =	vld [tilespmem:s18+$0xFFFFFFC0]  }
0xbd: {  	v3 =	vld [tilespmem:s18+$0x60]  }
0xbe: {  	v6 =	vld [tilespmem:s18+$0xFFFFFFF0]  }
0xbf: {  	v7 =	vld [tilespmem:s18+$0x70]  }
0xc0: {  	v8 =	vld [tilespmem:s19+$0x30]  }
0xc1: {  	v9 =	vld [tilespmem:s18+$0xFFFFFFB0]  }
0xc2: {  	v10 =	vld [tilespmem:s18+$0xFFFFFFA0]  }
0xc3: {  	v11 =	vld [tilespmem:s19+$0xFFFFFFD0]  }
0xc4: {  	v12 =	vld [tilespmem:s18+$0x10]  }
0xc5: {  	v13 =	vld [tilespmem:s18+$0x20];
	v8 =	vmul.f32 $4.500000000e+01, v8  }
0xc6: {  	v14 =	vld [tilespmem:s18+$0xFFFFFFD0]  }
0xc7: {  	[tilespmem:v7+s5+$0x0] =	vst.idx.add.f32.msk $0xffff, v8;
	v7 =	vsub.f32 $0.0e+00, v8  }
0xc8: {  	v8 =	vld [tilespmem:s18+$0xFFFFFFE0]  }
0xc9: {  	[tilespmem:v6+s5+$0x0] =	vst.idx.add.f32.msk $0xffff, v7  }
0xca: {  	v6 =	vld [tilespmem:s19+$0x20]  }
0xcb: {  	v7 =	vld [tilespmem:s18+$0x50]  }
0xcc: {  	v15 =	vld [tilespmem:s19+$0x10]  }
0xcd: {  	v16 =	vld [tilespmem:s18+$0x40]  }
0xce: {  	v17 =	vld [tilespmem:s19+$0x0]  }
0xcf: {  	v18 =	vld [tilespmem:s18+$0x30];
	v6 =	vmul.f32 $4.500000000e+01, v6  }
0xd0: {  	v19 =	vld [tilespmem:s19+$0xFFFFFFF0]  }
0xd1: {  	v15 =	vmul.f32 $4.500000000e+01, v15;
	[tilespmem:v3+s5+$0x0] =	vst.idx.add.f32.msk $0xffff, v6;
	v3 =	vsub.f32 $0.0e+00, v6  }
0xd2: {  	v6 =	vld [tilespmem:s19+$0xFFFFFFE0]  }
0xd3: {  	v17 =	vmul.f32 $4.500000000e+01, v17;
	[tilespmem:v8+s5+$0x0] =	vst.idx.add.f32.msk $0xffff, v3  }
0xd4: {  	[tilespmem:v7+s5+$0x0] =	vst.idx.add.f32.msk $0xffff, v15  }
0xd5: {  	v3 =	vld [tilespmem:s18+$0x0];
	v7 =	vmul.f32 $4.500000000e+01, v19;
	v8 =	vsub.f32 $0.0e+00, v17  }
0xd6: {  	v15 =	vsub.f32 $0.0e+00, v15;
	[tilespmem:v16+s5+$0x0] =	vst.idx.add.f32.msk $0xffff, v17  }
0xd7: {  	v6 =	vmul.f32 $4.500000000e+01, v6;
	v16 =	vsub.f32 $0.0e+00, v7;
	[tilespmem:v5+s5+$0x0] =	vst.idx.add.f32.msk $0xffff, v8  }
0xd8: {  	[tilespmem:v14+s5+$0x0] =	vst.idx.add.f32.msk $0xffff, v15  }
.Ltmp7:
0xd9: {  	v8 =	vmul.f32 $4.500000000e+01, v11;
	[tilespmem:v13+s5+$0x0] =	vst.idx.add.f32.msk $0xffff, v6;
	v6 =	vsub.f32 $0.0e+00, v6;
	(pc) =	sbr.rel @p0 .LBB2_8-.Ltmp7, $4  }
0xda: {  	[tilespmem:v18+s5+$0x0] =	vst.idx.add.f32.msk $0xffff, v7  }
0xdb: {  	v5 =	vmul.f32 $4.500000000e+01, v4;
	v4 =	vsub.f32 $0.0e+00, v8;
	[tilespmem:v12+s5+$0x0] =	vst.idx.add.f32.msk $0xffff, v8  }
0xdc: {  	[tilespmem:v10+s5+$0x0] =	vst.idx.add.f32.msk $0xffff, v6  }
0xdd: {  	v6 =	vsub.f32 $0.0e+00, v5;
	[tilespmem:v9+s5+$0x0] =	vst.idx.add.f32.msk $0xffff, v16  }
0xde: {  	_ =	sdelay $0x1  }
.Ltmp8:
0xdf: {  	_ = 	snop;
	(pc) =	sbr.rel .LBB2_10-.Ltmp8, $4  }
0xe0: {  	_ = 	snop  }
0xe1: {  	[tilespmem:v3+s5+$0x0] =	vst.idx.add.f32.msk $0xffff, v5  }
0xe2: {  	[tilespmem:v1+s5+$0x0] =	vst.idx.add.f32.msk $0xffff, v4  }
0xe3: {  	[tilespmem:v2+s5+$0x0] =	vst.idx.add.f32.msk $0xffff, v6  }
.LBB2_12:
0xe4: {  	_ =	sfence.sel $0x180000  }
0xe5: {  	[bflag:$0x0] =	sbarrier.arrive $0xFFFF  }
0xe6: {  	p0 =	sne.s32 s0, $0x0;
	_ =	strace $0x90000047  }
0xe7: {  	s0 =	sadd.s32 @!p0 $0x100000, s1;
	[bflag:$0x2] =	sbarrier.arrive $0xFFFF  }
0xe8: {  	[sflag:s0] =	ssyncadd.tile.s32 @!p0 $0x1;
	_ =	shalt  }
.Lfunc_end2:
_tile_overlayer_lowered:
.L_overlay_start_2:
0xe9: {  	(tag) =	ssettag $0x2  }
0xea: {  	s0 =	rddreg [dreg:$0x0];
	s2 =	stileid.u32  }
0xeb: {  	s1 =	rddreg [dreg:$0x1];
	p0 =	sne.s32 s2, $0x0  }
0xec: {  	s3 =	rddreg [dreg:$0x2];
	[bflag:$0x3] =	sbarrier.arrive $0xFFFF;
	s2 =	simm.s32 @!p0 $0x1C03  }
0xed: {  	[timem:s3], [sflag:s2] =	dma.local @!p0 [hbm:s0], s1  }
0xee: {  	s0 =	simm.s32 @!p0 $0x3  }
0xef: {  	_ =	swait.ge @!p0 [sflag:s0], s1  }
0xf0: {  	s1 =	ssub.s32 @!p0 $0x0, s1;
	[sflag:s0] =	ssyncset.done @!p0 $0x0  }
0xf1: {  	[sflag:s0] =	ssyncadd.s32 @!p0 s1  }
0xf2: {  	[bflag:$0x3] =	sbarrier.arrive $0xFFFF  }
0xf3: {  	_ =	shalt  }

// kernel: run.7.cloned.1.call-start
scs
__scs_entry_jumppad:
0x0: {  	(pc) =	sbr.rel $0x88, $3  }
0x1: {  	(tag) =	ssettag $0x0;
	lr =	simm.s32 $0x1  }
0x2: {  	[smem:$0x3F9B] =	sst lr;
	_ =	strace $0xD0000000  }
0x3: {  	_ = 	snop  }
0x4: {  	_ = 	snop  }
0x5: {  	_ = 	snop  }
0x6: {  	_ = 	snop  }
0x7: {  	_ = 	snop  }
__scs_overlays_trampoline_lowered:
0x8: {  	[smem:$0x3FAA] =	sst s0  }
0x9: {  	[smem:$0x3FAB] =	sst s1  }
0xa: {  	[smem:$0x3FAC] =	sst s2  }
0xb: {  	[smem:$0x3FAD] =	sst s3  }
0xc: {  	[smem:$0x3FAE] =	sst s4  }
0xd: {  	[smem:$0x3FAF] =	sst s5  }
0xe: {  	[smem:$0x3FB0] =	sst s6  }
0xf: {  	[smem:$0x3FB1] =	sst s7  }
0x10: {  	[smem:$0x3FB2] =	sst s8  }
0x11: {  	[smem:$0x3FB3] =	sst s9;
	s0 =	simm.s32 @!p0 $0x0  }
0x12: {  	s1 =	sld [smem:$0x3F99];
	s0 =	simm.s32 @p0 $0x1  }
0x13: {  	[smem:$0x3FB4] =	sst s0;
	s0 =	simm.s32 @!p1 $0x0  }
0x14: {  	s2 =	sld [smem:$0x3F98];
	s0 =	simm.s32 @p1 $0x1  }
0x15: {  	[smem:$0x3FB5] =	sst s0;
	s0 =	simm.s32 @!p2 $0x0  }
0x16: {  	s3 =	sld [smem:$0x3FDB];
	s0 =	simm.s32 @p2 $0x1  }
0x17: {  	s4 =	simm.s32 $0x1BF5;
	[smem:$0x3FB7] =	sst s0  }
0x18: {  	s0 =	sld [smem:$0x3F9A];
	_ =	swait.ge [sflag:s4], $0x0  }
0x19: {  	s7 =	sld [smem:$0x3F9B]  }
0x1a: {  	s8 =	sadd.s32 $0xFFFFE003, lr  }
0x1b: {  	s9 =	sadd.s32 $0xFFFFFEF7, lr;
	s5 =	simm.s32 $0xFFFFFFFF;
	p2 =	slt.u32 s8, $0xFFFFF086  }
0x1c: {  	p1 =	slt.u32 s9, $0xF7A;
	s5 =	simm.s32 @!p2 $0x0  }
0x1d: {  	s5 =	simm.s32 @p1 $0x1;
	p0 =	seq.s32 s7, s2  }
0x1e: {  	s7 =	smul.u32 @!p0 $0xF7A, s2;
	p2 =	seq.s32 @!p0 s5, $0x0  }
0x1f: {  	s9 =	smul.u32 $0xF7A, s1;
	s8 =	simm.s32 @!p0 $0x1BF5;
	p2 =	por !p2, p0  }
0x20: {  	[sflag:s8] =	ssyncset.s32 @!p0 $0xFFFFF086;
	s6 =	sadd.s32 @!p0 s3, s7;
	s7 =	simm.s32 @!p0 $0x108  }
0x21: {  	s3 =	sadd.s32 s3, s9;
	s6 =	sadd.s32 @!p0 $0x88, s6;
	s7 =	simm.s32 @p2 $0x1082  }
0x22: {  	[simem:s7], [sflag:s8] =	dma.local @!p0 [hbm:s6], $0xF7A  }
0x23: {  	s9 =	sor.u32 $0xD0000000, s2;
	s6 =	simm.s32 $0x108;
	_ =	swait.ge @!p0 [sflag:s8], $0x0  }
0x24: {  	s3 =	sadd.s32 $0x88, s3;
	s6 =	simm.s32 @!p1 $0x1082;
	[sflag:s4] =	ssyncset.s32 $0xFFFFF086  }
0x25: {  	[simem:s6], [sflag:s4] =	dma.local [hbm:s3], $0xF7A  }
0x26: {  	[smem:$0x3F9B] =	sst s1;
	(tag) =	ssettag s2;
	_ =	strace s9  }
0x27: {  	s1 =	sld [smem:$0x3FAB]  }
0x28: {  	s2 =	sld [smem:$0x3FAC]  }
0x29: {  	s4 =	sld [smem:$0x3FAE]  }
0x2a: {  	p0 =	seq.s32 s5, $0x0;
	s5 =	sld [smem:$0x3FAF]  }
0x2b: {  	s6 =	sld [smem:$0x3FB0]  }
0x2c: {  	s7 =	sld [smem:$0x3FB1]  }
0x2d: {  	s3 =	simm.s32 $0x108;
	s8 =	sld [smem:$0x3FB2]  }
0x2e: {  	s3 =	simm.s32 @!p0 $0x1082;
	s9 =	sld [smem:$0x3FB3]  }
0x2f: {  	lr =	sadd.s32 s0, s3;
	s0 =	sld [smem:$0x3FAA]  }
0x30: {  	s3 =	sld [smem:$0x3FAD]  }
0x31: {  	[smem:$0x3FB6] =	sst s10  }
0x32: {  	s10 =	sld [smem:$0x3FB4];
	_ =	sdelay $0x3  }
0x33: {  	p0 =	seq.s32 s10, $0x1;
	s10 =	sld [smem:$0x3FB6];
	_ =	sdelay $0x3  }
0x34: {  	[smem:$0x3FB6] =	sst s10  }
0x35: {  	s10 =	sld [smem:$0x3FB5];
	_ =	sdelay $0x3  }
0x36: {  	p1 =	seq.s32 s10, $0x1;
	s10 =	sld [smem:$0x3FB6];
	_ =	sdelay $0x3  }
0x37: {  	[smem:$0x3FB6] =	sst s10  }
0x38: {  	s10 =	sld [smem:$0x3FB7]  }
0x39: {  	_ = 	snop;
	(pc) =	sbr.ind lr, $3  }
0x3a: {  	_ = 	snop  }
0x3b: {  	_ = 	snop  }
0x3c: {  	p2 =	seq.s32 s10, $0x1;
	s10 =	sld [smem:$0x3FB6]  }
0x3d: {  	_ =	shalt  }
0x3e: {  	_ =	shalt  }
0x3f: {  	_ =	shalt  }
0x40: {  	_ =	shalt  }
0x41: {  	_ =	shalt  }
0x42: {  	_ =	shalt  }
0x43: {  	_ =	shalt  }
0x44: {  	_ =	shalt  }
0x45: {  	_ =	shalt  }
0x46: {  	_ =	shalt  }
0x47: {  	_ =	shalt  }
0x48: {  	_ =	shalt  }
0x49: {  	_ =	shalt  }
0x4a: {  	_ =	shalt  }
0x4b: {  	_ =	shalt  }
0x4c: {  	_ =	shalt  }
0x4d: {  	_ =	shalt  }
0x4e: {  	_ =	shalt  }
0x4f: {  	_ =	shalt  }
0x50: {  	_ =	shalt  }
0x51: {  	_ =	shalt  }
0x52: {  	_ =	shalt  }
0x53: {  	_ =	shalt  }
0x54: {  	_ =	shalt  }
0x55: {  	_ =	shalt  }
0x56: {  	_ =	shalt  }
0x57: {  	_ =	shalt  }
0x58: {  	_ =	shalt  }
0x59: {  	_ =	shalt  }
0x5a: {  	_ =	shalt  }
0x5b: {  	_ =	shalt  }
0x5c: {  	_ =	shalt  }
0x5d: {  	_ =	shalt  }
0x5e: {  	_ =	shalt  }
0x5f: {  	_ =	shalt  }
0x60: {  	_ =	shalt  }
0x61: {  	_ =	shalt  }
0x62: {  	_ =	shalt  }
0x63: {  	_ =	shalt  }
0x64: {  	_ =	shalt  }
0x65: {  	_ =	shalt  }
0x66: {  	_ =	shalt  }
0x67: {  	_ =	shalt  }
0x68: {  	_ =	shalt  }
0x69: {  	_ =	shalt  }
0x6a: {  	_ =	shalt  }
0x6b: {  	_ =	shalt  }
0x6c: {  	_ =	shalt  }
0x6d: {  	_ =	shalt  }
0x6e: {  	_ =	shalt  }
0x6f: {  	_ =	shalt  }
0x70: {  	_ =	shalt  }
0x71: {  	_ =	shalt  }
0x72: {  	_ =	shalt  }
0x73: {  	_ =	shalt  }
0x74: {  	_ =	shalt  }
0x75: {  	_ =	shalt  }
0x76: {  	_ =	shalt  }
0x77: {  	_ =	shalt  }
0x78: {  	_ =	shalt  }
0x79: {  	_ =	shalt  }
0x7a: {  	_ =	shalt  }
0x7b: {  	_ =	shalt  }
0x7c: {  	_ =	shalt  }
0x7d: {  	_ =	shalt  }
0x7e: {  	_ =	shalt  }
0x7f: {  	_ =	shalt  }
0x80: {  	_ =	shalt  }
0x81: {  	_ =	shalt  }
0x82: {  	_ =	shalt  }
0x83: {  	_ =	shalt  }
0x84: {  	_ =	shalt  }
0x85: {  	_ =	shalt  }
0x86: {  	_ =	shalt  }
0x87: {  	_ =	shalt  }
.Lfunc_end0:
.L_simem_size_0:
called_computation.1_lowered:
.L_overlay_start_0:
0x88: {  	s2 =	sld [smem:$0x3FD9]  }
0x89: {  	s3 =	sld [smem:$0x3FFE];
	_ =	sdelay $0x1  }
0x8a: {  	s1 =	srdreg.scid  }
0x8b: {  	s0 =	sand.u32 $0x1, s1  }
0x8c: {  	s17 =	sshll.u32 s0, $0xA;
	s2 =	sadd.s32 s3, s2  }
0x8d: {  	s2 =	sadd.s32 s2, s17  }
0x8e: {  	[smem:$0x3FC2] =	sst s2  }
0x8f: {  	_ = 	snop  }
0x90: {  	s2 =	sld [smem:$0x3FC5];
	(tm) =	ssettm $0x1  }
0x91: {  	s18 =	sld [smem:$0x3FFB];
	_ =	sdelay $0x3  }
0x92: {  	_ =	strace s18  }
0x93: {  	s3 =	sld [smem:$0x3FFC];
	_ =	sdelay $0x3  }
0x94: {  	_ =	strace s3  }
0x95: {  	s3 =	sld [smem:$0x3FFD];
	_ =	sdelay $0x3  }
0x96: {  	_ =	strace s3  }
0x97: {  	_ =	strace $0x8FFFFFFF  }
0x98: {  	s19 =	sld [smem:$0x3FDB];
	_ =	sdelay $0x1  }
0x99: {  	s4 =	simm.s32 $_scs_section_size  }
0x9a: {  	s5 =	simm.s32 $_size__tile_overlayer_lowered;
	s6 =	simm.s32 $_tile_overlayer_lowered  }
0x9b: {  	s22 =	simm.s32 $0x1BFF;
	s21 =	sshll.u32 s6, $0x1;
	s3 =	sadd.s32 s4, s19  }
0x9c: {  	s7 =	simm.s32 $0x0;
	s20 =	sshll.u32 s5, $0x1;
	s5 =	sadd.s32 s21, s3  }
0x9d: {  	[timem:s7], [sflag:s22] =	dma.local [hbm:s5], s20  }
0x9e: {  	_ =	swait.ge [sflag:s22], s20  }
0x9f: {  	s4 =	ssub.s32 $0x0, s20;
	[sflag:s22] =	ssyncset.done $0x0  }
0xa0: {  	[sflag:s22] =	ssyncadd.s32 s4;
	_ =	sdelay $0x1  }
0xa1: {  	s23 =	simm.s32 $0x1B8B  }
0xa2: {  	_ =	swait.ge [sflag:s23], $0x1  }
0xa3: {  	[sflag:s23] =	ssyncset.done $0x0  }
0xa4: {  	s25 =	simm.s32 $0x1B8E;
	s24 =	sld [smem:$0x3FFE];
	[sflag:s23] =	ssyncadd.s32 $0xFFFFFFFF  }
0xa5: {  	s26 =	simm.s32 $execute0_lowered;
	[smem:$0x3FD2] =	sst s25  }
0xa6: {  	s5 =	sshll.u32 s26, $0x1;
	_ =	strace $0x80000049;
	[dreg:$0x1] =	wrdreg $0xFFFFFFFF  }
0xa7: {  	s28 =	simm.s32 $_size_execute0_lowered;
	s3 =	sadd.s32 s3, s5;
	[dreg:$0x0] =	wrdreg $0x0  }
0xa8: {  	s5 =	sshll.u32 s28, $0x1;
	[dreg:$0x2] =	wrdreg s3  }
0xa9: {  	[dreg:$0x3] =	wrdreg s5  }
0xaa: {  	[dreg:$0x4] =	wrdreg $0xC0  }
0xab: {  	_ =	task [dreg:s7], $0x5FFFF  }
0xac: {  	[dreg:$0x1] =	wrdreg $0xFFFFFFFF  }
0xad: {  	[dreg:$0x0] =	wrdreg $0x60  }
0xae: {  	[dreg:$0x2] =	wrdreg s24  }
0xaf: {  	[dreg:$0x3] =	wrdreg s2  }
0xb0: {  	[dreg:$0x4] =	wrdreg $0x9  }
0xb1: {  	_ =	task.clear_ibuf [dreg:s7], $0x5FFFF;
	_ =	strace $0x90000049  }
0xb2: {  	s29 =	simm.s32 $0x9;
	_ =	strace $0x8000004B  }
0xb3: {  	_ =	swait.ge [sflag:s29], $0x1  }
0xb4: {  	[sflag:s29] =	ssyncadd.s32 $0xFFFFFFFF  }
0xb5: {  	_ =	strace $0x9000004B  }
0xb6: {  	_ =	sfence  }
0xb7: {  	s30 =	sld [smem:$0x0];
	_ =	sdelay $0x2  }
0xb8: {  	s31 =	sshll.u32 s1, $0xD;
	s1 =	sshrl.u32 s1, $0x2  }
0xb9: {  	s3 =	sand.u32 $0x4000, s31;
	s1 =	sadd.s32 s1, s30  }
0xba: {  	s0 =	sor.u32 s3, s0;
	s1 =	sshll.u32 s1, $0x11  }
0xbb: {  	s0 =	sor.u32 s1, s0  }
0xbc: {  	s0 =	sadd.s32 $0x8F2B, s0  }
0xbd: {  	[sflag:s0] =	ssyncadd.remote.s32 $0x1  }
0xbe: {  	_ =	sfence.sel $0xFFFF  }
0xbf: {  	[dreg:$0x0] =	wrdreg $0xFFFFFFFF;
	(pc) =	sbr.abs _section_cstart, $3  }
0xc0: {  	[dreg:$0x1] =	wrdreg $0xFFFFFFFF  }
0xc1: {  	_ =	task.clear_ibuf [dreg:s7], $0x2FFFF;
	_ =	strace $0x9FFFFFFF  }
0xc2: {  	(tm) =	ssettm $0x7FFFFFFF  }
0xc3: {  	_ =	shalt  }
tec
execute0_lowered:
.L_overlay_start_1:
0x0: {  	(tag) =	ssettag $0x1  }
0x1: {  	s1 =	srdreg.scid;
	s12 =	rddreg [dreg:$0x0]  }
0x2: {  	s0 =	stileid.u32;
	s6 =	rddreg [dreg:$0x1];
	s2 =	simm.s32 $0x0  }
0x3: {  	s18 =	simm.s32 $0x3E80;
	s19 =	simm.s32 $0x4B00;
	s20 =	simm.s32 $0x1900  }
0x4: {  	s21 =	simm.s32 $0x2;
	s23 =	simm.s32 $0x1;
	s24 =	simm.s32 $0x0  }
0x5: {  	s9 =	sand.u32 $0x1, s1;
	s31 =	sshll.u32 s0, $0x1;
	s1 =	rddreg [dreg:$0x2]  }
0x6: {  	[smem:$0x7FF] =	sst s2;
	s3 =	sadd.s32 $0xC3600, s12;
	s15 =	smul.u32 $0x1880, s0  }
0x7: {  	s11 =	sor.u32 s9, s31;
	s4 =	ssub.s32 $0x2, s9;
	s16 =	smul.u32 $0xC40, s9  }
0x8: {  	_ =	strace $0x8000004A;
	s22 =	smul.u32 $0xC40, s11;
	s5 =	sshrl.u32 s4, $0x1  }
0x9: {  	s17 =	sshll.u32 s11, $0x1;
	s14 =	ssub.s32 s4, s5;
	s15 =	sadd.s32 s16, s15  }
0xa: {  	s16 =	simm.s32 $0x3;
	s13 =	smin.u32 s22, $0x17A60;
	v0 =	vmov s22;
	s22 =	simm.s32 $0x5780  }
0xb: {  	s8 =	sshrl.u32 s13, $0x3;
	s10 =	sadd.s32 $0x30D40, s13;
	s11 =	sadd.s32 $0x493E0, s13  }
0xc: {  	s13 =	smax.u32 s14, $0x1;
	s14 =	smin.u32 s15, $0x17A60;
	s15 =	simm.s32 $0x2580  }
0xd: {  	s7 =	sadd.s32 s8, s12;
	s6 =	sadd.s32 s6, s8;
	s8 =	sadd.s32 s3, s8  }
0xe: {  	s12 =	sadd.s32 s12, s17;
	s4 =	sadd.s32 $0x12B600, s7;
	s5 =	sadd.s32 $0x128400, s7  }
0xf: {  	v1 =	vlaneseq.u32;
	s17 =	simm.s32 $0x3200;
	s7 =	sadd.s32 $0x125200, s7;
	s9 =	sadd.s32 $0x30D4, s8  }
.LBB2_1:
0x10: {  	[tilespmem:s15], [sflag:$0x3] =	stream.linear.gather [hbm4b:s4+s2], $0xC40, $0x38;
	[tilespmem:$0x5800] =	vst v63  }
0x11: {  	_ =	swait.ge [sflag:s16], $0xC40  }
0x12: {  	[sflag:s16] =	ssyncset.done $0x0  }
0x13: {  	[sflag:s16] =	ssyncadd.s32 $0xFFFFF3C0  }
0x14: {  	[tilespmem:s17], [sflag:$0x3] =	stream.linear.gather [hbm4b:s5+s2], $0xC40, $0x38;
	[tilespmem:$0x5800] =	vst v63  }
0x15: {  	_ =	swait.ge [sflag:s16], $0xC40  }
0x16: {  	[sflag:s16] =	ssyncset.done $0x0  }
0x17: {  	[sflag:s16] =	ssyncadd.s32 $0xFFFFF3C0  }
0x18: {  	[tilespmem:s18], [sflag:$0x3] =	stream.linear.gather [hbm4b:s6+s2], $0xC40, $0x38;
	[tilespmem:$0x5800] =	vst v63  }
0x19: {  	_ =	swait.ge [sflag:s16], $0xC40  }
0x1a: {  	[sflag:s16] =	ssyncset.done $0x0  }
0x1b: {  	[sflag:s16] =	ssyncadd.s32 $0xFFFFF3C0  }
0x1c: {  	[tilespmem:s19], [sflag:$0x3] =	stream.linear.gather [hbm4b:s7+s2], $0xC40, $0x38;
	[tilespmem:$0x5800] =	vst v63  }
0x1d: {  	_ =	swait.ge [sflag:s16], $0xC40  }
0x1e: {  	[sflag:s16] =	ssyncset.done $0x0  }
0x1f: {  	[sflag:s16] =	ssyncadd.s32 $0xFFFFF3C0  }
0x20: {  	[tilespmem:s2], [sflag:$0x3] =	stream.linear.gather [hbm4b:s8+s2], $0xC40, $0x38;
	[tilespmem:$0x5800] =	vst v63  }
0x21: {  	_ =	swait.ge [sflag:s16], $0xC40  }
0x22: {  	[sflag:s16] =	ssyncset.done $0x0  }
0x23: {  	s25 =	simm.s32 $0x0;
	[sflag:s16] =	ssyncadd.s32 $0xFFFFF3C0  }
0x24: {  	[tilespmem:s20], [sflag:$0x2] =	stream.linear.gather [hbm4b:s9+s2], $0xC40, $0x38;
	[tilespmem:$0x5800] =	vst v63  }
.LBB2_2:
0x25: {  	p0 =	seq.s32 s25, $0xF  }
0x26: {  	s26 =	smul.u32 @!p0 $0x30D40, s25;
	_ =	sdelay $0x1  }
0x27: {  	s26 =	sadd.s32 @!p0 s26, s10  }
0x28: {  	s26 =	sshrl.u32 @!p0 s26, $0x3  }
0x29: {  	s28 =	simm.s32 @!p0 $0x0;
	s29 =	simm.s32 @!p0 $0xC80;
	s26 =	sadd.s32 @!p0 s3, s26  }
0x2a: {  	[tilespmem:s29], [sflag:$0x1] =	stream.linear.gather @!p0 [hbm4b:s26+s28], $0xC40, $0x38;
	[tilespmem:$0x5800] =	vst v63  }
0x2b: {  	_ =	swait.ge [sflag:s21], $0xC40  }
0x2c: {  	[sflag:s21] =	ssyncset.done $0x0  }
0x2d: {  	s26 =	simm.s32 $0x0;
	[sflag:s21] =	ssyncadd.s32 $0xFFFFF3C0  }
0x2e: {  	s28 =	simm.s32 $0x40;
	v2 =	vld [tilespmem:s26+$0x1900]  }
.LBB2_3:
0x2f: {  	p1 =	sne.s32 s28, $0x30C0;
	v3 =	vld [tilespmem:s26+$0x0];
	_ =	sdelay $0x2  }
.Ltmp0:
0x30: {  	(pc) =	sbr.rel @p1 .LBB2_3-.Ltmp0, $4  }
0x31: {  	_ = 	snop  }
0x32: {  	v3 =	vadd.f32 v2, v3  }
0x33: {  	s29 =	sshra.s32 s28, $0x2  }
0x34: {  	s28 =	sadd.s32 $0x40, s28;
	v2 =	vld [tilespmem:s29+$0x1900];
	[tilespmem:s26+$0x0] =	vst v3;
	s26 =	smov.u32 s29  }
0x35: {  	v3 =	vld [tilespmem:s26+$0x0];
	_ =	sdelay $0x2  }
.Ltmp1:
0x36: {  	_ = 	snop;
	(pc) =	sbr.rel @p0 .LBB2_5-.Ltmp1, $3  }
0x37: {  	_ = 	snop  }
0x38: {  	v2 =	vadd.f32 v2, v3;
	_ =	sdelay $0x1  }
0x39: {  	[tilespmem:s26+$0x0] =	vst v2  }
0x3a: {  	s26 =	smul.u32 $0x30D40, s25;
	_ =	sdelay $0x1  }
0x3b: {  	s26 =	sadd.s32 s26, s11  }
0x3c: {  	s26 =	sshrl.u32 s26, $0x3  }
0x3d: {  	s28 =	simm.s32 $0x0;
	s26 =	sadd.s32 s3, s26  }
0x3e: {  	[tilespmem:s20], [sflag:$0x2] =	stream.linear.gather [hbm4b:s26+s28], $0xC40, $0x38;
	[tilespmem:$0x5800] =	vst v63  }
0x3f: {  	_ =	swait.ge [sflag:s23], $0xC40  }
0x40: {  	[sflag:s23] =	ssyncset.done $0x0  }
0x41: {  	s26 =	simm.s32 $0x0;
	[sflag:s23] =	ssyncadd.s32 $0xFFFFF3C0  }
0x42: {  	s28 =	simm.s32 $0x40;
	v2 =	vld [tilespmem:s26+$0xC80]  }
.LBB2_10:
0x43: {  	p0 =	sne.s32 s28, $0x30C0;
	v3 =	vld [tilespmem:s26+$0x0];
	_ =	sdelay $0x2  }
.Ltmp2:
0x44: {  	(pc) =	sbr.rel @p0 .LBB2_10-.Ltmp2, $4  }
0x45: {  	_ = 	snop  }
0x46: {  	v3 =	vadd.f32 v2, v3  }
0x47: {  	s29 =	sshra.s32 s28, $0x2  }
0x48: {  	s28 =	sadd.s32 $0x40, s28;
	v2 =	vld [tilespmem:s29+$0xC80];
	[tilespmem:s26+$0x0] =	vst v3;
	s26 =	smov.u32 s29  }
0x49: {  	v3 =	vld [tilespmem:s26+$0x0];
	_ =	sdelay $0x2  }
.Ltmp3:
0x4a: {  	_ = 	snop;
	(pc) =	sbr.rel .LBB2_2-.Ltmp3, $3  }
0x4b: {  	_ = 	snop  }
0x4c: {  	v2 =	vadd.f32 v2, v3;
	_ =	sdelay $0x1  }
0x4d: {  	s25 =	sadd.s32 $0x1, s25;
	[tilespmem:s26+$0x0] =	vst v2  }
.LBB2_5:
0x4e: {  	s25 =	simm.s32 $0x0  }
0x4f: {  	v3 =	vld [tilespmem:s25+$0x3200]  }
0x50: {  	v4 =	vld [tilespmem:s25+$0x2580];
	_ =	sdelay $0x2  }
0x51: {  	s26 =	simm.s32 $0x10;
	v5 =	vld [tilespmem:s25+$0x0]  }
0x52: {  	v6 =	vld [tilespmem:s26+$0x3200]  }
0x53: {  	v7 =	vld [tilespmem:s26+$0x2580];
	v3 =	vsub.f32 v3, v4  }
0x54: {  	v8 =	vld [tilespmem:s25+$0x3E80]  }
0x55: {  	v3 =	vadd.f32 v3, v3  }
0x56: {  	v10 =	vld [tilespmem:s25+$0x4B00]  }
0x57: {  	s25 =	simm.s32 $0x20;
	v4 =	vld [tilespmem:s26+$0x0];
	v3 =	vsub.f32 v3, v5  }
0x58: {  	v9 =	vsub.f32 v6, v7;
	v6 =	vld [tilespmem:s25+$0x2580]  }
0x59: {  	v5 =	vld [tilespmem:s25+$0x3200];
	v3 =	vsub.f32 v3, v8  }
0x5a: {  	v2 =	vimm.f32 $0.0e+00;
	v11 =	vmov s14;
	v7 =	vld [tilespmem:s26+$0x3E80]  }
0x5b: {  	v12 =	vor.u32 s14, v1;
	v9 =	vadd.f32 v9, v9;
	v8 =	vand.u32 $0x7FFFFFFF, v3  }
0x5c: {  	s28 =	simm.s32 $0xC0;
	vm0 =	vge.u32 v12, v0;
	vm1 =	vlt.u32 v11, $0x186A0;
	v3 =	vld [tilespmem:s26+$0x4B00];
	s26 =	smov.u32 s14;
	v8 =	vmul.f32 v8, v10  }
.LBB2_6:
0x5d: {  	s29 =	sshra.s32 s28, $0x2;
	v9 =	vsub.f32 v9, v4;
	v4 =	vld [tilespmem:s25+$0x0];
	vm0 =	vmand vm1, vm0;
	p0 =	sne.s32 s28, $0x30C0  }
.Ltmp4:
0x5e: {  	v10 =	vsub.f32 v5, v6;
	v5 =	vld [tilespmem:s29+$0x3200];
	v8 =	vnsel vm0, $0x0, v8;
	(pc) =	sbr.rel @p0 .LBB2_6-.Ltmp4, $4  }
0x5f: {  	s28 =	sadd.s32 $0x40, s28;
	s26 =	sadd.s32 $0x10, s26;
	v6 =	vld [tilespmem:s29+$0x2580];
	v11 =	vsub.f32 v9, v7;
	v2 =	vadd.f32 v8, v2  }
0x60: {  	v12 =	vmov s26;
	v7 =	vld [tilespmem:s25+$0x3E80]  }
0x61: {  	v9 =	vadd.f32 v10, v10;
	v10 =	vor.u32 s26, v1;
	v8 =	vand.u32 $0x7FFFFFFF, v11  }
0x62: {  	vm1 =	vlt.u32 v12, $0x186A0;
	vm0 =	vge.u32 v10, v0;
	v8 =	vmul.f32 v8, v3;
	v3 =	vld [tilespmem:s25+$0x4B00];
	s25 =	smov.u32 s29  }
0x63: {  	v10 =	vld [tilespmem:s25+$0x0]  }
0x64: {  	v5 =	vsub.f32 v5, v6  }
0x65: {  	v57 =	vld [tilespmem:s25+$0x3E80]  }
0x66: {  	v4 =	vsub.f32 v9, v4;
	s26 =	sadd.s32 $0x10, s26;
	v5 =	vadd.f32 v5, v5  }
0x67: {  	vm0 =	vmand vm1, vm0;
	v58 =	vmov s26  }
0x68: {  	v60 =	vld [tilespmem:s25+$0x4B00];
	v59 =	vor.u32 s26, v1;
	v4 =	vsub.f32 v4, v7;
	v5 =	vsub.f32 v5, v10  }
0x69: {  	v61 =	vnsel vm0, $0x0, v8;
	vm12 =	vge.u32 v59, v0;
	vm2 =	vlt.u32 v58, $0x186A0  }
0x6a: {  	s31 =	sadd.s32 $0x10, s26;
	v2 =	vadd.f32 v61, v2;
	v4 =	vand.u32 $0x7FFFFFFF, v4;
	v5 =	vsub.f32 v5, v57  }
0x6b: {  	v62 =	vmov s31;
	v63 =	vor.u32 s31, v1;
	v3 =	vmul.f32 v4, v3  }
0x6c: {  	vm13 =	vmand vm2, vm12;
	vm14 =	vge.u32 v63, v0;
	v5 =	vand.u32 $0x7FFFFFFF, v5  }
0x6d: {  	vm15 =	vlt.u32 v62, $0x186A0;
	v3 =	vnsel vm13, $0x0, v3;
	v5 =	vmul.f32 v5, v60  }
0x6e: {  	vm0 =	vmand vm15, vm14;
	v2 =	vadd.f32 v3, v2  }
0x6f: {  	v3 =	vnsel vm0, $0x0, v5  }
0x70: {  	s24 =	sadd.s32 $0x1, s24;
	v2 =	vadd.f32 v3, v2  }
0x71: {  	p0 =	sne.s32 s24, s13  }
.Ltmp5:
0x72: {  	[tilespmem:$0x5780] =	vst v2;
	(pc) =	sbr.rel @p0 .LBB2_1-.Ltmp5, $4  }
0x73: {  	[hbm4b:s12+s2] =	stream.linear.scatter [tilespmem:s22], [sflag:$0x3], $0x10, $0x38;
	[tilespmem:$0x5800] =	vst v63  }
0x74: {  	_ =	swait.ge [sflag:s16], $0x10  }
0x75: {  	[sflag:s16] =	ssyncset.done $0x0  }
0x76: {  	[sflag:s16] =	ssyncadd.s32 $0xFFFFFFF0  }
0x77: {  	_ =	sfence.sel $0x180000  }
0x78: {  	[bflag:$0x0] =	sbarrier.arrive $0xFFFF  }
0x79: {  	p0 =	sne.s32 s0, $0x0;
	_ =	strace $0x9000004A  }
0x7a: {  	s0 =	sadd.s32 @!p0 $0x100000, s1;
	[bflag:$0x2] =	sbarrier.arrive $0xFFFF  }
0x7b: {  	[sflag:s0] =	ssyncadd.tile.s32 @!p0 $0x1;
	_ =	shalt  }
.Lfunc_end2:
_tile_overlayer_lowered:
.L_overlay_start_2:
0x7c: {  	(tag) =	ssettag $0x2  }
0x7d: {  	s0 =	rddreg [dreg:$0x0];
	s2 =	stileid.u32  }
0x7e: {  	s1 =	rddreg [dreg:$0x1];
	p0 =	sne.s32 s2, $0x0  }
0x7f: {  	s3 =	rddreg [dreg:$0x2];
	[bflag:$0x3] =	sbarrier.arrive $0xFFFF;
	s2 =	simm.s32 @!p0 $0x1C03  }
0x80: {  	[timem:s3], [sflag:s2] =	dma.local @!p0 [hbm:s0], s1  }
0x81: {  	s0 =	simm.s32 @!p0 $0x3  }
0x82: {  	_ =	swait.ge @!p0 [sflag:s0], s1  }
0x83: {  	s1 =	ssub.s32 @!p0 $0x0, s1;
	[sflag:s0] =	ssyncset.done @!p0 $0x0  }
0x84: {  	[sflag:s0] =	ssyncadd.s32 @!p0 s1  }
0x85: {  	[bflag:$0x3] =	sbarrier.arrive $0xFFFF  }
0x86: {  	_ =	shalt  }

</sc_bundles>
